<compile_context>
chip_gen: v7x
topology: tpu7x:2x2x1
jax: 0.10.2.dev20260603
libtpu: 0.0.44.dev20260713+nightly
codegen_flags: <defaults>
</compile_context>

<pallas_src>
import jax
import jax.numpy as jnp
from jax import lax
from jax.experimental import pallas as pl
from jax.experimental.pallas import tpu as pltpu
from jax.experimental.pallas import tpu_sc as plsc

L = 16
PBLK = 128
NPB = 16
BH = 8
CB = 2944
VHALF = 17 * CB
NBUF = 4
DP = 128


def _pairs_tc_kernel(a_ref, b_ref, out_ref):
    out_ref[...] = jnp.concatenate([a_ref[...].T, b_ref[...].T], axis=1)


def _finish_tc_kernel(x_ref, posT_ref, o_ref):
    o_ref[0] = x_ref[...][:, :posT_ref.shape[0]].T + posT_ref[...]


def _emb_kernel(idx4, tokd, out, idx_v, idx_g, rows, sem_g, sem_o):
    wid = lax.axis_index("s") * 2 + lax.axis_index("c")
    pb = wid % NPB
    h = wid // NPB
    p0 = pb * PBLK

    pltpu.sync_copy(idx4.at[h, pb], idx_v)

    for k in range(BH):
        for l0 in range(PBLK // L):
            sl = pl.ds(l0 * L, L)
            v = idx_v[k, sl]
            v2 = v + v
            idx_g[k, sl] = jnp.where(v < VHALF, v2, v2 - (2 * VHALF - 1))

    def gather(k, buf):
        return pltpu.async_copy(tokd.at[idx_g.at[k]], rows.at[buf], sem_g)

    def out_slot(k):
        return out.at[pl.ds((h * BH + k) * 2048 + p0, PBLK), pl.ds(0, 64)]

    gather(0, 0)

    @pl.loop(0, BH)
    def _chunk(k):
        par = lax.rem(k, NBUF)

        @pl.when(k < BH - 1)
        def _():
            gather(k + 1, lax.rem(k + 1, NBUF))

        pltpu.make_async_copy(tokd.at[idx_g.at[k]], rows.at[par],
                              sem_g).wait()
        pltpu.async_copy(rows.at[par], out_slot(k), sem_o)

        @pl.when(k >= NBUF - 2)
        def _():
            pltpu.make_async_copy(rows.at[0], out_slot(0), sem_o).wait()

    for _ in range(NBUF - 2):
        pltpu.make_async_copy(rows.at[0], out_slot(0), sem_o).wait()


def kernel(idx, tok_table, pos_table):
    B, T = idx.shape
    V, D = tok_table.shape
    idx = idx.astype(jnp.int32)

    idx4 = idx.reshape(B // 8, 8, T // 128, 128).transpose(0, 2, 1, 3)
    tokT = tok_table.T
    posT = pos_table.T

    tok2 = pl.pallas_call(
        _pairs_tc_kernel,
        grid=(VHALF // CB,),
        in_specs=[pl.BlockSpec((D, CB), lambda i: (0, i)),
                  pl.BlockSpec((D, CB), lambda i: (0, i + VHALF // CB))],
        out_specs=pl.BlockSpec((CB, 2 * D), lambda i: (i, 0)),
        out_shape=jax.ShapeDtypeStruct((VHALF, 2 * D), jnp.float32),
        compiler_params=pltpu.CompilerParams(
            dimension_semantics=("arbitrary",)),
    )(tokT, tokT)
    tokd = tok2.reshape(2 * VHALF, D)

    mesh = plsc.VectorSubcoreMesh(core_axis_name="c", subcore_axis_name="s")

    gathered = pl.kernel(
        _emb_kernel,
        out_type=jax.ShapeDtypeStruct((B * T, DP), jnp.float32),
        mesh=mesh,
        scratch_types=[
            pltpu.VMEM((BH, PBLK), jnp.int32),
            pltpu.VMEM((BH, PBLK), jnp.int32),
            pltpu.VMEM((NBUF, PBLK, D), jnp.float32),
            pltpu.SemaphoreType.DMA,
            pltpu.SemaphoreType.DMA,
        ],
        compiler_params=pltpu.CompilerParams(use_tc_tiling_on_sc=False),
    )(idx4, tokd)

    outT = pl.pallas_call(
        _finish_tc_kernel,
        grid=(B,),
        in_specs=[pl.BlockSpec((T, DP), lambda b: (b, 0)),
                  pl.BlockSpec((D, T), lambda b: (0, 0))],
        out_specs=pl.BlockSpec((1, D, T), lambda b: (b, 0, 0)),
        out_shape=jax.ShapeDtypeStruct((B, D, T), jnp.float32),
        compiler_params=pltpu.CompilerParams(
            dimension_semantics=("arbitrary",)),
    )(gathered, posT)
    return jnp.swapaxes(outT, 1, 2)

# --- scband reference (transcript-rebuilt; emitter-appended) ---
"""Pipeline reference for scband-token-position-embedding-79955111182904 (READ-ONLY COPY).

The authoritative reference and input builder live on the scoring server;
editing this copy changes nothing except your own understanding.
"""

import jax, jax.numpy as jnp
import numpy as np

VOCAB_SIZE = 100000
N_EMBD = 64
BLOCK_SIZE = 2048
B = 16
T = 2048

def setup_inputs(seed: int = 0) -> dict:
    key = jax.random.key(seed)
    k1, k2, k3 = jax.random.split(key, 3)
    idx = jax.random.randint(k1, (B, T), 0, VOCAB_SIZE, dtype=jnp.int64 if jax.config.jax_enable_x64 else jnp.int32)
    tok_table = jax.random.normal(k2, (VOCAB_SIZE, N_EMBD), dtype=jnp.float32) * 0.02
    pos_table = jax.random.normal(k3, (BLOCK_SIZE, N_EMBD), dtype=jnp.float32) * 0.02
    return {"idx": idx, "tok_table": tok_table, "pos_table": pos_table}

def reference(idx, tok_table, pos_table):
    Bq, Tq = idx.shape
    tok_emb = jnp.take(tok_table, idx, axis=0)            # (B, T, n_embd)
    positions = jnp.arange(Tq)
    pos_emb = jnp.take(pos_table, positions, axis=0)      # (T, n_embd)
    return tok_emb + pos_emb[None, :, :]

if __name__ == "__main__":
    import jax
    _d = setup_inputs()
    print(jax.jit(kernel)(*tuple(_d.values())))

</pallas_src>

<mosaic_0001>
#map = affine_map<(d0, d1) -> (0, 0, 0, 0)>
#map1 = affine_map<(d0, d1) -> (0, 0)>
module attributes {stable_mosaic.version = 14 : i64} {
  func.func @_emb_kernel(%arg0: i32, %arg1: i32, %arg2: memref<2x16x8x128xi32, #tpu.memory_space<hbm>>, %arg3: memref<100096x64xf32, #tpu.memory_space<hbm>>, %arg4: memref<32768x128xf32, #tpu.memory_space<hbm>>, %arg5: memref<8x128xi32, #tpu.memory_space<vmem>>, %arg6: memref<8x128xi32, #tpu.memory_space<vmem>>, %arg7: memref<4x128x64xf32, #tpu.memory_space<vmem>>, %arg8: memref<!tpu.dma_semaphore, #tpu.memory_space<semaphore_mem>>, %arg9: memref<!tpu.dma_semaphore, #tpu.memory_space<semaphore_mem>>) attributes {dimension_semantics = [#tpu.dimension_semantics<core_parallel>, #tpu.dimension_semantics<subcore_parallel>], iteration_bounds = array<i64: 2, 16>, scalar_prefetch = 0 : i64, scratch_operands = 5 : i64, tpu.core_type = #tpu.core_type<sc_vector_subcore>, window_params = [{transform_indices = #map}, {transform_indices = #map1}, {transform_indices = #map1}]} {
    %mul3A = arith.constant 2 : i32
    %mul3A_0 = arith.muli %arg1, %mul3A : i32
    %add3A = arith.addi %mul3A_0, %arg0 : i32
    %jit3A = arith.constant 16 : i32
    %eq3A = arith.constant 0 : i32
    %eq3A_1 = arith.cmpi eq, %jit3A, %eq3A : i32
    %jit3A_2 = arith.constant 1 : i32
    %select_n3A = arith.select %eq3A_1, %jit3A_2, %jit3A : i32
    %rem3A = arith.remsi %add3A, %select_n3A : i32
    %ne3A = arith.constant 0 : i32
    %ne3A_3 = arith.cmpi ne, %rem3A, %ne3A : i32
    %lt3A = arith.constant 0 : i32
    %lt3A_4 = arith.cmpi slt, %rem3A, %lt3A : i32
    %lt3A_5 = arith.constant 0 : i32
    %lt3A_6 = arith.cmpi slt, %select_n3A, %lt3A_5 : i32
    %ne3A_7 = arith.xori %lt3A_4, %lt3A_6 : i1
    %and3A = arith.andi %ne3A_7, %ne3A_3 : i1
    %add3A_8 = arith.addi %rem3A, %select_n3A : i32
    %select_n3A_9 = arith.select %and3A, %add3A_8, %rem3A : i32
    %jit3A_10 = arith.constant 16 : i32
    %div3A = arith.divsi %add3A, %jit3A_10 : i32
    %sign3A = arith.constant 0 : i32
    %sign3A_11 = arith.cmpi sgt, %add3A, %sign3A : i32
    %sign3A_12 = arith.extui %sign3A_11 : i1 to i32
    %sign3A_13 = arith.constant 0 : i32
    %sign3A_14 = arith.cmpi slt, %add3A, %sign3A_13 : i32
    %sign3A_15 = arith.extui %sign3A_14 : i1 to i32
    %sign3A_16 = arith.subi %sign3A_12, %sign3A_15 : i32
    %sign3A_17 = arith.constant 0 : i32
    %sign3A_18 = arith.cmpi sgt, %jit3A_10, %sign3A_17 : i32
    %sign3A_19 = arith.extui %sign3A_18 : i1 to i32
    %sign3A_20 = arith.constant 0 : i32
    %sign3A_21 = arith.cmpi slt, %jit3A_10, %sign3A_20 : i32
    %sign3A_22 = arith.extui %sign3A_21 : i1 to i32
    %sign3A_23 = arith.subi %sign3A_19, %sign3A_22 : i32
    %ne3A_24 = arith.cmpi ne, %sign3A_16, %sign3A_23 : i32
    %rem3A_25 = arith.remsi %add3A, %jit3A_10 : i32
    %ne3A_26 = arith.constant 0 : i32
    %ne3A_27 = arith.cmpi ne, %rem3A_25, %ne3A_26 : i32
    %and3A_28 = arith.andi %ne3A_24, %ne3A_27 : i1
    %sub3A = arith.constant 1 : i32
    %sub3A_29 = arith.subi %div3A, %sub3A : i32
    %select_n3A_30 = arith.select %and3A_28, %sub3A_29, %div3A : i32
    %mul3A_31 = arith.constant 128 : i32
    %mul3A_32 = arith.muli %select_n3A_9, %mul3A_31 : i32
    "tpu.region"() ({
      %run_scoped3A = tpu.sem_alloc : memref<!tpu.dma_semaphore, #tpu.memory_space<semaphore_mem>>
      %dma_start3A_1301 = arith.constant 0 : i32
      %dma_start3A_1302 = arith.constant 0 : i32
      %dma_start3A_1303 = tpu.memref_slice %arg2[%select_n3A_30, %select_n3A_9, %dma_start3A_1301, %dma_start3A_1302] : memref<2x16x8x128xi32, #tpu.memory_space<hbm>> -> memref<1x1x8x128xi32, #tpu.memory_space<hbm>>
      %dma_start3A_1304 = tpu.memref_squeeze %dma_start3A_1303 : memref<1x1x8x128xi32, #tpu.memory_space<hbm>> -> memref<8x128xi32, #tpu.memory_space<hbm>>
      %dma_start3A_1305 = arith.constant 0 : i32
      %dma_start3A_1306 = arith.constant 0 : i32
      %dma_start3A_1307 = tpu.memref_slice %arg2[%select_n3A_30, %select_n3A_9, %dma_start3A_1305, %dma_start3A_1306] : memref<2x16x8x128xi32, #tpu.memory_space<hbm>> -> memref<1x1x8x128xi32, #tpu.memory_space<hbm>>
      %dma_start3A_1308 = tpu.memref_squeeze %dma_start3A_1307 : memref<1x1x8x128xi32, #tpu.memory_space<hbm>> -> memref<8x128xi32, #tpu.memory_space<hbm>>
      tpu.enqueue_dma source(%dma_start3A_1308 : memref<8x128xi32, #tpu.memory_space<hbm>>) target(%arg5 : memref<8x128xi32, #tpu.memory_space<vmem>>) target_semaphore(%run_scoped3A : memref<!tpu.dma_semaphore, #tpu.memory_space<semaphore_mem>>)
      %dma_wait3A_1309 = arith.constant 0 : i32
      %dma_wait3A_1310 = arith.constant 0 : i32
      %dma_wait3A_1311 = tpu.memref_slice %arg2[%select_n3A_30, %select_n3A_9, %dma_wait3A_1309, %dma_wait3A_1310] : memref<2x16x8x128xi32, #tpu.memory_space<hbm>> -> memref<1x1x8x128xi32, #tpu.memory_space<hbm>>
      %dma_wait3A_1312 = tpu.memref_squeeze %dma_wait3A_1311 : memref<1x1x8x128xi32, #tpu.memory_space<hbm>> -> memref<8x128xi32, #tpu.memory_space<hbm>>
      %dma_wait3A_1313 = arith.constant 0 : i32
      %dma_wait3A_1314 = arith.constant 0 : i32
      %dma_wait3A_1315 = tpu.memref_slice %arg2[%select_n3A_30, %select_n3A_9, %dma_wait3A_1313, %dma_wait3A_1314] : memref<2x16x8x128xi32, #tpu.memory_space<hbm>> -> memref<1x1x8x128xi32, #tpu.memory_space<hbm>>
      %dma_wait3A_1316 = tpu.memref_squeeze %dma_wait3A_1315 : memref<1x1x8x128xi32, #tpu.memory_space<hbm>> -> memref<8x128xi32, #tpu.memory_space<hbm>>
      tpu.wait_dma2 semaphore(%run_scoped3A : memref<!tpu.dma_semaphore, #tpu.memory_space<semaphore_mem>>) src(%dma_wait3A_1316 : memref<8x128xi32, #tpu.memory_space<hbm>>) dst(%arg5 : memref<8x128xi32, #tpu.memory_space<vmem>>)
      tpu.yield
    }) : () -> ()
    %get3A = arith.constant 0 : i32
    %get3A_33 = arith.index_cast %get3A : i32 to index
    %get3A_34 = arith.constant 0 : index
    %get3A_35 = tpu.vector_load %arg5[%get3A_33, %get3A_34] {strides = array<i32>} : memref<8x128xi32, #tpu.memory_space<vmem>>, vector<1x16xi32>,
    %get3A_36 = vector.shape_cast %get3A_35 : vector<1x16xi32> to vector<16xi32>
    %add3A_37 = arith.addi %get3A_36, %get3A_36 : vector<16xi32>
    %lt3A_38 = arith.constant 50048 : i32
    %lt3A_39 = vector.broadcast %lt3A_38 : i32 to vector<16xi32>
    %lt3A_40 = arith.cmpi slt, %get3A_36, %lt3A_39 : vector<16xi32>
    %sub3A_41 = arith.constant 100095 : i32
    %sub3A_42 = vector.broadcast %sub3A_41 : i32 to vector<16xi32>
    %sub3A_43 = arith.subi %add3A_37, %sub3A_42 : vector<16xi32>
    %select_n3A_44 = arith.select %lt3A_40, %add3A_37, %sub3A_43 : vector<16xi1>, vector<16xi32>
    %swap3A = arith.constant 0 : i32
    %swap3A_45 = arith.index_cast %swap3A : i32 to index
    %swap3A_46 = arith.constant 0 : index
    %swap3A_47 = tpu.vector_load %arg6[%swap3A_45, %swap3A_46] {strides = array<i32>} : memref<8x128xi32, #tpu.memory_space<vmem>>, vector<1x16xi32>,
    %swap3A_48 = vector.shape_cast %swap3A_47 : vector<1x16xi32> to vector<16xi32>
    %swap3A_49 = vector.shape_cast %select_n3A_44 : vector<16xi32> to vector<1x16xi32>
    tpu.vector_store %arg6[%swap3A_45, %swap3A_46], %swap3A_49 {strides = array<i32>} : memref<8x128xi32, #tpu.memory_space<vmem>>, vector<1x16xi32>,
    %get3A_50 = arith.constant 0 : i32
    %get3A_51 = arith.index_cast %get3A_50 : i32 to index
    %get3A_52 = arith.constant 16 : index
    %get3A_53 = tpu.vector_load %arg5[%get3A_51, %get3A_52] {strides = array<i32>} : memref<8x128xi32, #tpu.memory_space<vmem>>, vector<1x16xi32>,
    %get3A_54 = vector.shape_cast %get3A_53 : vector<1x16xi32> to vector<16xi32>
    %add3A_55 = arith.addi %get3A_54, %get3A_54 : vector<16xi32>
    %lt3A_56 = arith.constant 50048 : i32
    %lt3A_57 = vector.broadcast %lt3A_56 : i32 to vector<16xi32>
    %lt3A_58 = arith.cmpi slt, %get3A_54, %lt3A_57 : vector<16xi32>
    %sub3A_59 = arith.constant 100095 : i32
    %sub3A_60 = vector.broadcast %sub3A_59 : i32 to vector<16xi32>
    %sub3A_61 = arith.subi %add3A_55, %sub3A_60 : vector<16xi32>
    %select_n3A_62 = arith.select %lt3A_58, %add3A_55, %sub3A_61 : vector<16xi1>, vector<16xi32>
    %swap3A_63 = arith.constant 0 : i32
    %swap3A_64 = arith.index_cast %swap3A_63 : i32 to index
    %swap3A_65 = arith.constant 16 : index
    %swap3A_66 = tpu.vector_load %arg6[%swap3A_64, %swap3A_65] {strides = array<i32>} : memref<8x128xi32, #tpu.memory_space<vmem>>, vector<1x16xi32>,
    %swap3A_67 = vector.shape_cast %swap3A_66 : vector<1x16xi32> to vector<16xi32>
    %swap3A_68 = vector.shape_cast %select_n3A_62 : vector<16xi32> to vector<1x16xi32>
    tpu.vector_store %arg6[%swap3A_64, %swap3A_65], %swap3A_68 {strides = array<i32>} : memref<8x128xi32, #tpu.memory_space<vmem>>, vector<1x16xi32>,
    %get3A_69 = arith.constant 0 : i32
    %get3A_70 = arith.index_cast %get3A_69 : i32 to index
    %get3A_71 = arith.constant 32 : index
    %get3A_72 = tpu.vector_load %arg5[%get3A_70, %get3A_71] {strides = array<i32>} : memref<8x128xi32, #tpu.memory_space<vmem>>, vector<1x16xi32>,
    %get3A_73 = vector.shape_cast %get3A_72 : vector<1x16xi32> to vector<16xi32>
    %add3A_74 = arith.addi %get3A_73, %get3A_73 : vector<16xi32>
    %lt3A_75 = arith.constant 50048 : i32
    %lt3A_76 = vector.broadcast %lt3A_75 : i32 to vector<16xi32>
    %lt3A_77 = arith.cmpi slt, %get3A_73, %lt3A_76 : vector<16xi32>
    %sub3A_78 = arith.constant 100095 : i32
    %sub3A_79 = vector.broadcast %sub3A_78 : i32 to vector<16xi32>
    %sub3A_80 = arith.subi %add3A_74, %sub3A_79 : vector<16xi32>
    %select_n3A_81 = arith.select %lt3A_77, %add3A_74, %sub3A_80 : vector<16xi1>, vector<16xi32>
    %swap3A_82 = arith.constant 0 : i32
    %swap3A_83 = arith.index_cast %swap3A_82 : i32 to index
    %swap3A_84 = arith.constant 32 : index
    %swap3A_85 = tpu.vector_load %arg6[%swap3A_83, %swap3A_84] {strides = array<i32>} : memref<8x128xi32, #tpu.memory_space<vmem>>, vector<1x16xi32>,
    %swap3A_86 = vector.shape_cast %swap3A_85 : vector<1x16xi32> to vector<16xi32>
    %swap3A_87 = vector.shape_cast %select_n3A_81 : vector<16xi32> to vector<1x16xi32>
    tpu.vector_store %arg6[%swap3A_83, %swap3A_84], %swap3A_87 {strides = array<i32>} : memref<8x128xi32, #tpu.memory_space<vmem>>, vector<1x16xi32>,
    %get3A_88 = arith.constant 0 : i32
    %get3A_89 = arith.index_cast %get3A_88 : i32 to index
    %get3A_90 = arith.constant 48 : index
    %get3A_91 = tpu.vector_load %arg5[%get3A_89, %get3A_90] {strides = array<i32>} : memref<8x128xi32, #tpu.memory_space<vmem>>, vector<1x16xi32>,
    %get3A_92 = vector.shape_cast %get3A_91 : vector<1x16xi32> to vector<16xi32>
    %add3A_93 = arith.addi %get3A_92, %get3A_92 : vector<16xi32>
    %lt3A_94 = arith.constant 50048 : i32
    %lt3A_95 = vector.broadcast %lt3A_94 : i32 to vector<16xi32>
    %lt3A_96 = arith.cmpi slt, %get3A_92, %lt3A_95 : vector<16xi32>
    %sub3A_97 = arith.constant 100095 : i32
    %sub3A_98 = vector.broadcast %sub3A_97 : i32 to vector<16xi32>
    %sub3A_99 = arith.subi %add3A_93, %sub3A_98 : vector<16xi32>
    %select_n3A_100 = arith.select %lt3A_96, %add3A_93, %sub3A_99 : vector<16xi1>, vector<16xi32>
    %swap3A_101 = arith.constant 0 : i32
    %swap3A_102 = arith.index_cast %swap3A_101 : i32 to index
    %swap3A_103 = arith.constant 48 : index
    %swap3A_104 = tpu.vector_load %arg6[%swap3A_102, %swap3A_103] {strides = array<i32>} : memref<8x128xi32, #tpu.memory_space<vmem>>, vector<1x16xi32>,
    %swap3A_105 = vector.shape_cast %swap3A_104 : vector<1x16xi32> to vector<16xi32>
    %swap3A_106 = vector.shape_cast %select_n3A_100 : vector<16xi32> to vector<1x16xi32>
    tpu.vector_store %arg6[%swap3A_102, %swap3A_103], %swap3A_106 {strides = array<i32>} : memref<8x128xi32, #tpu.memory_space<vmem>>, vector<1x16xi32>,
    %get3A_107 = arith.constant 0 : i32
    %get3A_108 = arith.index_cast %get3A_107 : i32 to index
    %get3A_109 = arith.constant 64 : index
    %get3A_110 = tpu.vector_load %arg5[%get3A_108, %get3A_109] {strides = array<i32>} : memref<8x128xi32, #tpu.memory_space<vmem>>, vector<1x16xi32>,
    %get3A_111 = vector.shape_cast %get3A_110 : vector<1x16xi32> to vector<16xi32>
    %add3A_112 = arith.addi %get3A_111, %get3A_111 : vector<16xi32>
    %lt3A_113 = arith.constant 50048 : i32
    %lt3A_114 = vector.broadcast %lt3A_113 : i32 to vector<16xi32>
    %lt3A_115 = arith.cmpi slt, %get3A_111, %lt3A_114 : vector<16xi32>
    %sub3A_116 = arith.constant 100095 : i32
    %sub3A_117 = vector.broadcast %sub3A_116 : i32 to vector<16xi32>
    %sub3A_118 = arith.subi %add3A_112, %sub3A_117 : vector<16xi32>
    %select_n3A_119 = arith.select %lt3A_115, %add3A_112, %sub3A_118 : vector<16xi1>, vector<16xi32>
    %swap3A_120 = arith.constant 0 : i32
    %swap3A_121 = arith.index_cast %swap3A_120 : i32 to index
    %swap3A_122 = arith.constant 64 : index
    %swap3A_123 = tpu.vector_load %arg6[%swap3A_121, %swap3A_122] {strides = array<i32>} : memref<8x128xi32, #tpu.memory_space<vmem>>, vector<1x16xi32>,
    %swap3A_124 = vector.shape_cast %swap3A_123 : vector<1x16xi32> to vector<16xi32>
    %swap3A_125 = vector.shape_cast %select_n3A_119 : vector<16xi32> to vector<1x16xi32>
    tpu.vector_store %arg6[%swap3A_121, %swap3A_122], %swap3A_125 {strides = array<i32>} : memref<8x128xi32, #tpu.memory_space<vmem>>, vector<1x16xi32>,
    %get3A_126 = arith.constant 0 : i32
    %get3A_127 = arith.index_cast %get3A_126 : i32 to index
    %get3A_128 = arith.constant 80 : index
    %get3A_129 = tpu.vector_load %arg5[%get3A_127, %get3A_128] {strides = array<i32>} : memref<8x128xi32, #tpu.memory_space<vmem>>, vector<1x16xi32>,
    %get3A_130 = vector.shape_cast %get3A_129 : vector<1x16xi32> to vector<16xi32>
    %add3A_131 = arith.addi %get3A_130, %get3A_130 : vector<16xi32>
    %lt3A_132 = arith.constant 50048 : i32
    %lt3A_133 = vector.broadcast %lt3A_132 : i32 to vector<16xi32>
    %lt3A_134 = arith.cmpi slt, %get3A_130, %lt3A_133 : vector<16xi32>
    %sub3A_135 = arith.constant 100095 : i32
    %sub3A_136 = vector.broadcast %sub3A_135 : i32 to vector<16xi32>
    %sub3A_137 = arith.subi %add3A_131, %sub3A_136 : vector<16xi32>
    %select_n3A_138 = arith.select %lt3A_134, %add3A_131, %sub3A_137 : vector<16xi1>, vector<16xi32>
    %swap3A_139 = arith.constant 0 : i32
    %swap3A_140 = arith.index_cast %swap3A_139 : i32 to index
    %swap3A_141 = arith.constant 80 : index
    %swap3A_142 = tpu.vector_load %arg6[%swap3A_140, %swap3A_141] {strides = array<i32>} : memref<8x128xi32, #tpu.memory_space<vmem>>, vector<1x16xi32>,
    %swap3A_143 = vector.shape_cast %swap3A_142 : vector<1x16xi32> to vector<16xi32>
    %swap3A_144 = vector.shape_cast %select_n3A_138 : vector<16xi32> to vector<1x16xi32>
    tpu.vector_store %arg6[%swap3A_140, %swap3A_141], %swap3A_144 {strides = array<i32>} : memref<8x128xi32, #tpu.memory_space<vmem>>, vector<1x16xi32>,
    %get3A_145 = arith.constant 0 : i32
    %get3A_146 = arith.index_cast %get3A_145 : i32 to index
    %get3A_147 = arith.constant 96 : index
    %get3A_148 = tpu.vector_load %arg5[%get3A_146, %get3A_147] {strides = array<i32>} : memref<8x128xi32, #tpu.memory_space<vmem>>, vector<1x16xi32>,
    %get3A_149 = vector.shape_cast %get3A_148 : vector<1x16xi32> to vector<16xi32>
    %add3A_150 = arith.addi %get3A_149, %get3A_149 : vector<16xi32>
    %lt3A_151 = arith.constant 50048 : i32
    %lt3A_152 = vector.broadcast %lt3A_151 : i32 to vector<16xi32>
    %lt3A_153 = arith.cmpi slt, %get3A_149, %lt3A_152 : vector<16xi32>
    %sub3A_154 = arith.constant 100095 : i32
    %sub3A_155 = vector.broadcast %sub3A_154 : i32 to vector<16xi32>
    %sub3A_156 = arith.subi %add3A_150, %sub3A_155 : vector<16xi32>
    %select_n3A_157 = arith.select %lt3A_153, %add3A_150, %sub3A_156 : vector<16xi1>, vector<16xi32>
    %swap3A_158 = arith.constant 0 : i32
    %swap3A_159 = arith.index_cast %swap3A_158 : i32 to index
    %swap3A_160 = arith.constant 96 : index
    %swap3A_161 = tpu.vector_load %arg6[%swap3A_159, %swap3A_160] {strides = array<i32>} : memref<8x128xi32, #tpu.memory_space<vmem>>, vector<1x16xi32>,
    %swap3A_162 = vector.shape_cast %swap3A_161 : vector<1x16xi32> to vector<16xi32>
    %swap3A_163 = vector.shape_cast %select_n3A_157 : vector<16xi32> to vector<1x16xi32>
    tpu.vector_store %arg6[%swap3A_159, %swap3A_160], %swap3A_163 {strides = array<i32>} : memref<8x128xi32, #tpu.memory_space<vmem>>, vector<1x16xi32>,
    %get3A_164 = arith.constant 0 : i32
    %get3A_165 = arith.index_cast %get3A_164 : i32 to index
    %get3A_166 = arith.constant 112 : index
    %get3A_167 = tpu.vector_load %arg5[%get3A_165, %get3A_166] {strides = array<i32>} : memref<8x128xi32, #tpu.memory_space<vmem>>, vector<1x16xi32>,
    %get3A_168 = vector.shape_cast %get3A_167 : vector<1x16xi32> to vector<16xi32>
    %add3A_169 = arith.addi %get3A_168, %get3A_168 : vector<16xi32>
    %lt3A_170 = arith.constant 50048 : i32
    %lt3A_171 = vector.broadcast %lt3A_170 : i32 to vector<16xi32>
    %lt3A_172 = arith.cmpi slt, %get3A_168, %lt3A_171 : vector<16xi32>
    %sub3A_173 = arith.constant 100095 : i32
    %sub3A_174 = vector.broadcast %sub3A_173 : i32 to vector<16xi32>
    %sub3A_175 = arith.subi %add3A_169, %sub3A_174 : vector<16xi32>
    %select_n3A_176 = arith.select %lt3A_172, %add3A_169, %sub3A_175 : vector<16xi1>, vector<16xi32>
    %swap3A_177 = arith.constant 0 : i32
    %swap3A_178 = arith.index_cast %swap3A_177 : i32 to index
    %swap3A_179 = arith.constant 112 : index
    %swap3A_180 = tpu.vector_load %arg6[%swap3A_178, %swap3A_179] {strides = array<i32>} : memref<8x128xi32, #tpu.memory_space<vmem>>, vector<1x16xi32>,
    %swap3A_181 = vector.shape_cast %swap3A_180 : vector<1x16xi32> to vector<16xi32>
    %swap3A_182 = vector.shape_cast %select_n3A_176 : vector<16xi32> to vector<1x16xi32>
    tpu.vector_store %arg6[%swap3A_178, %swap3A_179], %swap3A_182 {strides = array<i32>} : memref<8x128xi32, #tpu.memory_space<vmem>>, vector<1x16xi32>,
    %get3A_183 = arith.constant 1 : i32
    %get3A_184 = arith.index_cast %get3A_183 : i32 to index
    %get3A_185 = arith.constant 0 : index
    %get3A_186 = tpu.vector_load %arg5[%get3A_184, %get3A_185] {strides = array<i32>} : memref<8x128xi32, #tpu.memory_space<vmem>>, vector<1x16xi32>,
    %get3A_187 = vector.shape_cast %get3A_186 : vector<1x16xi32> to vector<16xi32>
    %add3A_188 = arith.addi %get3A_187, %get3A_187 : vector<16xi32>
    %lt3A_189 = arith.constant 50048 : i32
    %lt3A_190 = vector.broadcast %lt3A_189 : i32 to vector<16xi32>
    %lt3A_191 = arith.cmpi slt, %get3A_187, %lt3A_190 : vector<16xi32>
    %sub3A_192 = arith.constant 100095 : i32
    %sub3A_193 = vector.broadcast %sub3A_192 : i32 to vector<16xi32>
    %sub3A_194 = arith.subi %add3A_188, %sub3A_193 : vector<16xi32>
    %select_n3A_195 = arith.select %lt3A_191, %add3A_188, %sub3A_194 : vector<16xi1>, vector<16xi32>
    %swap3A_196 = arith.constant 1 : i32
    %swap3A_197 = arith.index_cast %swap3A_196 : i32 to index
    %swap3A_198 = arith.constant 0 : index
    %swap3A_199 = tpu.vector_load %arg6[%swap3A_197, %swap3A_198] {strides = array<i32>} : memref<8x128xi32, #tpu.memory_space<vmem>>, vector<1x16xi32>,
    %swap3A_200 = vector.shape_cast %swap3A_199 : vector<1x16xi32> to vector<16xi32>
    %swap3A_201 = vector.shape_cast %select_n3A_195 : vector<16xi32> to vector<1x16xi32>
    tpu.vector_store %arg6[%swap3A_197, %swap3A_198], %swap3A_201 {strides = array<i32>} : memref<8x128xi32, #tpu.memory_space<vmem>>, vector<1x16xi32>,
    %get3A_202 = arith.constant 1 : i32
    %get3A_203 = arith.index_cast %get3A_202 : i32 to index
    %get3A_204 = arith.constant 16 : index
    %get3A_205 = tpu.vector_load %arg5[%get3A_203, %get3A_204] {strides = array<i32>} : memref<8x128xi32, #tpu.memory_space<vmem>>, vector<1x16xi32>,
    %get3A_206 = vector.shape_cast %get3A_205 : vector<1x16xi32> to vector<16xi32>
    %add3A_207 = arith.addi %get3A_206, %get3A_206 : vector<16xi32>
    %lt3A_208 = arith.constant 50048 : i32
    %lt3A_209 = vector.broadcast %lt3A_208 : i32 to vector<16xi32>
    %lt3A_210 = arith.cmpi slt, %get3A_206, %lt3A_209 : vector<16xi32>
    %sub3A_211 = arith.constant 100095 : i32
    %sub3A_212 = vector.broadcast %sub3A_211 : i32 to vector<16xi32>
    %sub3A_213 = arith.subi %add3A_207, %sub3A_212 : vector<16xi32>
    %select_n3A_214 = arith.select %lt3A_210, %add3A_207, %sub3A_213 : vector<16xi1>, vector<16xi32>
    %swap3A_215 = arith.constant 1 : i32
    %swap3A_216 = arith.index_cast %swap3A_215 : i32 to index
    %swap3A_217 = arith.constant 16 : index
    %swap3A_218 = tpu.vector_load %arg6[%swap3A_216, %swap3A_217] {strides = array<i32>} : memref<8x128xi32, #tpu.memory_space<vmem>>, vector<1x16xi32>,
    %swap3A_219 = vector.shape_cast %swap3A_218 : vector<1x16xi32> to vector<16xi32>
    %swap3A_220 = vector.shape_cast %select_n3A_214 : vector<16xi32> to vector<1x16xi32>
    tpu.vector_store %arg6[%swap3A_216, %swap3A_217], %swap3A_220 {strides = array<i32>} : memref<8x128xi32, #tpu.memory_space<vmem>>, vector<1x16xi32>,
    %get3A_221 = arith.constant 1 : i32
    %get3A_222 = arith.index_cast %get3A_221 : i32 to index
    %get3A_223 = arith.constant 32 : index
    %get3A_224 = tpu.vector_load %arg5[%get3A_222, %get3A_223] {strides = array<i32>} : memref<8x128xi32, #tpu.memory_space<vmem>>, vector<1x16xi32>,
    %get3A_225 = vector.shape_cast %get3A_224 : vector<1x16xi32> to vector<16xi32>
    %add3A_226 = arith.addi %get3A_225, %get3A_225 : vector<16xi32>
    %lt3A_227 = arith.constant 50048 : i32
    %lt3A_228 = vector.broadcast %lt3A_227 : i32 to vector<16xi32>
    %lt3A_229 = arith.cmpi slt, %get3A_225, %lt3A_228 : vector<16xi32>
    %sub3A_230 = arith.constant 100095 : i32
    %sub3A_231 = vector.broadcast %sub3A_230 : i32 to vector<16xi32>
    %sub3A_232 = arith.subi %add3A_226, %sub3A_231 : vector<16xi32>
    %select_n3A_233 = arith.select %lt3A_229, %add3A_226, %sub3A_232 : vector<16xi1>, vector<16xi32>
    %swap3A_234 = arith.constant 1 : i32
    %swap3A_235 = arith.index_cast %swap3A_234 : i32 to index
    %swap3A_236 = arith.constant 32 : index
    %swap3A_237 = tpu.vector_load %arg6[%swap3A_235, %swap3A_236] {strides = array<i32>} : memref<8x128xi32, #tpu.memory_space<vmem>>, vector<1x16xi32>,
    %swap3A_238 = vector.shape_cast %swap3A_237 : vector<1x16xi32> to vector<16xi32>
    %swap3A_239 = vector.shape_cast %select_n3A_233 : vector<16xi32> to vector<1x16xi32>
    tpu.vector_store %arg6[%swap3A_235, %swap3A_236], %swap3A_239 {strides = array<i32>} : memref<8x128xi32, #tpu.memory_space<vmem>>, vector<1x16xi32>,
    %get3A_240 = arith.constant 1 : i32
    %get3A_241 = arith.index_cast %get3A_240 : i32 to index
    %get3A_242 = arith.constant 48 : index
    %get3A_243 = tpu.vector_load %arg5[%get3A_241, %get3A_242] {strides = array<i32>} : memref<8x128xi32, #tpu.memory_space<vmem>>, vector<1x16xi32>,
    %get3A_244 = vector.shape_cast %get3A_243 : vector<1x16xi32> to vector<16xi32>
    %add3A_245 = arith.addi %get3A_244, %get3A_244 : vector<16xi32>
    %lt3A_246 = arith.constant 50048 : i32
    %lt3A_247 = vector.broadcast %lt3A_246 : i32 to vector<16xi32>
    %lt3A_248 = arith.cmpi slt, %get3A_244, %lt3A_247 : vector<16xi32>
    %sub3A_249 = arith.constant 100095 : i32
    %sub3A_250 = vector.broadcast %sub3A_249 : i32 to vector<16xi32>
    %sub3A_251 = arith.subi %add3A_245, %sub3A_250 : vector<16xi32>
    %select_n3A_252 = arith.select %lt3A_248, %add3A_245, %sub3A_251 : vector<16xi1>, vector<16xi32>
    %swap3A_253 = arith.constant 1 : i32
    %swap3A_254 = arith.index_cast %swap3A_253 : i32 to index
    %swap3A_255 = arith.constant 48 : index
    %swap3A_256 = tpu.vector_load %arg6[%swap3A_254, %swap3A_255] {strides = array<i32>} : memref<8x128xi32, #tpu.memory_space<vmem>>, vector<1x16xi32>,
    %swap3A_257 = vector.shape_cast %swap3A_256 : vector<1x16xi32> to vector<16xi32>
    %swap3A_258 = vector.shape_cast %select_n3A_252 : vector<16xi32> to vector<1x16xi32>
    tpu.vector_store %arg6[%swap3A_254, %swap3A_255], %swap3A_258 {strides = array<i32>} : memref<8x128xi32, #tpu.memory_space<vmem>>, vector<1x16xi32>,
    %get3A_259 = arith.constant 1 : i32
    %get3A_260 = arith.index_cast %get3A_259 : i32 to index
    %get3A_261 = arith.constant 64 : index
    %get3A_262 = tpu.vector_load %arg5[%get3A_260, %get3A_261] {strides = array<i32>} : memref<8x128xi32, #tpu.memory_space<vmem>>, vector<1x16xi32>,
    %get3A_263 = vector.shape_cast %get3A_262 : vector<1x16xi32> to vector<16xi32>
    %add3A_264 = arith.addi %get3A_263, %get3A_263 : vector<16xi32>
    %lt3A_265 = arith.constant 50048 : i32
    %lt3A_266 = vector.broadcast %lt3A_265 : i32 to vector<16xi32>
    %lt3A_267 = arith.cmpi slt, %get3A_263, %lt3A_266 : vector<16xi32>
    %sub3A_268 = arith.constant 100095 : i32
    %sub3A_269 = vector.broadcast %sub3A_268 : i32 to vector<16xi32>
    %sub3A_270 = arith.subi %add3A_264, %sub3A_269 : vector<16xi32>
    %select_n3A_271 = arith.select %lt3A_267, %add3A_264, %sub3A_270 : vector<16xi1>, vector<16xi32>
    %swap3A_272 = arith.constant 1 : i32
    %swap3A_273 = arith.index_cast %swap3A_272 : i32 to index
    %swap3A_274 = arith.constant 64 : index
    %swap3A_275 = tpu.vector_load %arg6[%swap3A_273, %swap3A_274] {strides = array<i32>} : memref<8x128xi32, #tpu.memory_space<vmem>>, vector<1x16xi32>,
    %swap3A_276 = vector.shape_cast %swap3A_275 : vector<1x16xi32> to vector<16xi32>
    %swap3A_277 = vector.shape_cast %select_n3A_271 : vector<16xi32> to vector<1x16xi32>
    tpu.vector_store %arg6[%swap3A_273, %swap3A_274], %swap3A_277 {strides = array<i32>} : memref<8x128xi32, #tpu.memory_space<vmem>>, vector<1x16xi32>,
    %get3A_278 = arith.constant 1 : i32
    %get3A_279 = arith.index_cast %get3A_278 : i32 to index
    %get3A_280 = arith.constant 80 : index
    %get3A_281 = tpu.vector_load %arg5[%get3A_279, %get3A_280] {strides = array<i32>} : memref<8x128xi32, #tpu.memory_space<vmem>>, vector<1x16xi32>,
    %get3A_282 = vector.shape_cast %get3A_281 : vector<1x16xi32> to vector<16xi32>
    %add3A_283 = arith.addi %get3A_282, %get3A_282 : vector<16xi32>
    %lt3A_284 = arith.constant 50048 : i32
    %lt3A_285 = vector.broadcast %lt3A_284 : i32 to vector<16xi32>
    %lt3A_286 = arith.cmpi slt, %get3A_282, %lt3A_285 : vector<16xi32>
    %sub3A_287 = arith.constant 100095 : i32
    %sub3A_288 = vector.broadcast %sub3A_287 : i32 to vector<16xi32>
    %sub3A_289 = arith.subi %add3A_283, %sub3A_288 : vector<16xi32>
    %select_n3A_290 = arith.select %lt3A_286, %add3A_283, %sub3A_289 : vector<16xi1>, vector<16xi32>
    %swap3A_291 = arith.constant 1 : i32
    %swap3A_292 = arith.index_cast %swap3A_291 : i32 to index
    %swap3A_293 = arith.constant 80 : index
    %swap3A_294 = tpu.vector_load %arg6[%swap3A_292, %swap3A_293] {strides = array<i32>} : memref<8x128xi32, #tpu.memory_space<vmem>>, vector<1x16xi32>,
    %swap3A_295 = vector.shape_cast %swap3A_294 : vector<1x16xi32> to vector<16xi32>
    %swap3A_296 = vector.shape_cast %select_n3A_290 : vector<16xi32> to vector<1x16xi32>
    tpu.vector_store %arg6[%swap3A_292, %swap3A_293], %swap3A_296 {strides = array<i32>} : memref<8x128xi32, #tpu.memory_space<vmem>>, vector<1x16xi32>,
    %get3A_297 = arith.constant 1 : i32
    %get3A_298 = arith.index_cast %get3A_297 : i32 to index
    %get3A_299 = arith.constant 96 : index
    %get3A_300 = tpu.vector_load %arg5[%get3A_298, %get3A_299] {strides = array<i32>} : memref<8x128xi32, #tpu.memory_space<vmem>>, vector<1x16xi32>,
    %get3A_301 = vector.shape_cast %get3A_300 : vector<1x16xi32> to vector<16xi32>
    %add3A_302 = arith.addi %get3A_301, %get3A_301 : vector<16xi32>
    %lt3A_303 = arith.constant 50048 : i32
    %lt3A_304 = vector.broadcast %lt3A_303 : i32 to vector<16xi32>
    %lt3A_305 = arith.cmpi slt, %get3A_301, %lt3A_304 : vector<16xi32>
    %sub3A_306 = arith.constant 100095 : i32
    %sub3A_307 = vector.broadcast %sub3A_306 : i32 to vector<16xi32>
    %sub3A_308 = arith.subi %add3A_302, %sub3A_307 : vector<16xi32>
    %select_n3A_309 = arith.select %lt3A_305, %add3A_302, %sub3A_308 : vector<16xi1>, vector<16xi32>
    %swap3A_310 = arith.constant 1 : i32
    %swap3A_311 = arith.index_cast %swap3A_310 : i32 to index
    %swap3A_312 = arith.constant 96 : index
    %swap3A_313 = tpu.vector_load %arg6[%swap3A_311, %swap3A_312] {strides = array<i32>} : memref<8x128xi32, #tpu.memory_space<vmem>>, vector<1x16xi32>,
    %swap3A_314 = vector.shape_cast %swap3A_313 : vector<1x16xi32> to vector<16xi32>
    %swap3A_315 = vector.shape_cast %select_n3A_309 : vector<16xi32> to vector<1x16xi32>
    tpu.vector_store %arg6[%swap3A_311, %swap3A_312], %swap3A_315 {strides = array<i32>} : memref<8x128xi32, #tpu.memory_space<vmem>>, vector<1x16xi32>,
    %get3A_316 = arith.constant 1 : i32
    %get3A_317 = arith.index_cast %get3A_316 : i32 to index
    %get3A_318 = arith.constant 112 : index
    %get3A_319 = tpu.vector_load %arg5[%get3A_317, %get3A_318] {strides = array<i32>} : memref<8x128xi32, #tpu.memory_space<vmem>>, vector<1x16xi32>,
    %get3A_320 = vector.shape_cast %get3A_319 : vector<1x16xi32> to vector<16xi32>
    %add3A_321 = arith.addi %get3A_320, %get3A_320 : vector<16xi32>
    %lt3A_322 = arith.constant 50048 : i32
    %lt3A_323 = vector.broadcast %lt3A_322 : i32 to vector<16xi32>
    %lt3A_324 = arith.cmpi slt, %get3A_320, %lt3A_323 : vector<16xi32>
    %sub3A_325 = arith.constant 100095 : i32
    %sub3A_326 = vector.broadcast %sub3A_325 : i32 to vector<16xi32>
    %sub3A_327 = arith.subi %add3A_321, %sub3A_326 : vector<16xi32>
    %select_n3A_328 = arith.select %lt3A_324, %add3A_321, %sub3A_327 : vector<16xi1>, vector<16xi32>
    %swap3A_329 = arith.constant 1 : i32
    %swap3A_330 = arith.index_cast %swap3A_329 : i32 to index
    %swap3A_331 = arith.constant 112 : index
    %swap3A_332 = tpu.vector_load %arg6[%swap3A_330, %swap3A_331] {strides = array<i32>} : memref<8x128xi32, #tpu.memory_space<vmem>>, vector<1x16xi32>,
    %swap3A_333 = vector.shape_cast %swap3A_332 : vector<1x16xi32> to vector<16xi32>
    %swap3A_334 = vector.shape_cast %select_n3A_328 : vector<16xi32> to vector<1x16xi32>
    tpu.vector_store %arg6[%swap3A_330, %swap3A_331], %swap3A_334 {strides = array<i32>} : memref<8x128xi32, #tpu.memory_space<vmem>>, vector<1x16xi32>,
    %get3A_335 = arith.constant 2 : i32
    %get3A_336 = arith.index_cast %get3A_335 : i32 to index
    %get3A_337 = arith.constant 0 : index
    %get3A_338 = tpu.vector_load %arg5[%get3A_336, %get3A_337] {strides = array<i32>} : memref<8x128xi32, #tpu.memory_space<vmem>>, vector<1x16xi32>,
    %get3A_339 = vector.shape_cast %get3A_338 : vector<1x16xi32> to vector<16xi32>
    %add3A_340 = arith.addi %get3A_339, %get3A_339 : vector<16xi32>
    %lt3A_341 = arith.constant 50048 : i32
    %lt3A_342 = vector.broadcast %lt3A_341 : i32 to vector<16xi32>
    %lt3A_343 = arith.cmpi slt, %get3A_339, %lt3A_342 : vector<16xi32>
    %sub3A_344 = arith.constant 100095 : i32
    %sub3A_345 = vector.broadcast %sub3A_344 : i32 to vector<16xi32>
    %sub3A_346 = arith.subi %add3A_340, %sub3A_345 : vector<16xi32>
    %select_n3A_347 = arith.select %lt3A_343, %add3A_340, %sub3A_346 : vector<16xi1>, vector<16xi32>
    %swap3A_348 = arith.constant 2 : i32
    %swap3A_349 = arith.index_cast %swap3A_348 : i32 to index
    %swap3A_350 = arith.constant 0 : index
    %swap3A_351 = tpu.vector_load %arg6[%swap3A_349, %swap3A_350] {strides = array<i32>} : memref<8x128xi32, #tpu.memory_space<vmem>>, vector<1x16xi32>,
    %swap3A_352 = vector.shape_cast %swap3A_351 : vector<1x16xi32> to vector<16xi32>
    %swap3A_353 = vector.shape_cast %select_n3A_347 : vector<16xi32> to vector<1x16xi32>
    tpu.vector_store %arg6[%swap3A_349, %swap3A_350], %swap3A_353 {strides = array<i32>} : memref<8x128xi32, #tpu.memory_space<vmem>>, vector<1x16xi32>,
    %get3A_354 = arith.constant 2 : i32
    %get3A_355 = arith.index_cast %get3A_354 : i32 to index
    %get3A_356 = arith.constant 16 : index
    %get3A_357 = tpu.vector_load %arg5[%get3A_355, %get3A_356] {strides = array<i32>} : memref<8x128xi32, #tpu.memory_space<vmem>>, vector<1x16xi32>,
    %get3A_358 = vector.shape_cast %get3A_357 : vector<1x16xi32> to vector<16xi32>
    %add3A_359 = arith.addi %get3A_358, %get3A_358 : vector<16xi32>
    %lt3A_360 = arith.constant 50048 : i32
    %lt3A_361 = vector.broadcast %lt3A_360 : i32 to vector<16xi32>
    %lt3A_362 = arith.cmpi slt, %get3A_358, %lt3A_361 : vector<16xi32>
    %sub3A_363 = arith.constant 100095 : i32
    %sub3A_364 = vector.broadcast %sub3A_363 : i32 to vector<16xi32>
    %sub3A_365 = arith.subi %add3A_359, %sub3A_364 : vector<16xi32>
    %select_n3A_366 = arith.select %lt3A_362, %add3A_359, %sub3A_365 : vector<16xi1>, vector<16xi32>
    %swap3A_367 = arith.constant 2 : i32
    %swap3A_368 = arith.index_cast %swap3A_367 : i32 to index
    %swap3A_369 = arith.constant 16 : index
    %swap3A_370 = tpu.vector_load %arg6[%swap3A_368, %swap3A_369] {strides = array<i32>} : memref<8x128xi32, #tpu.memory_space<vmem>>, vector<1x16xi32>,
    %swap3A_371 = vector.shape_cast %swap3A_370 : vector<1x16xi32> to vector<16xi32>
    %swap3A_372 = vector.shape_cast %select_n3A_366 : vector<16xi32> to vector<1x16xi32>
    tpu.vector_store %arg6[%swap3A_368, %swap3A_369], %swap3A_372 {strides = array<i32>} : memref<8x128xi32, #tpu.memory_space<vmem>>, vector<1x16xi32>,
    %get3A_373 = arith.constant 2 : i32
    %get3A_374 = arith.index_cast %get3A_373 : i32 to index
    %get3A_375 = arith.constant 32 : index
    %get3A_376 = tpu.vector_load %arg5[%get3A_374, %get3A_375] {strides = array<i32>} : memref<8x128xi32, #tpu.memory_space<vmem>>, vector<1x16xi32>,
    %get3A_377 = vector.shape_cast %get3A_376 : vector<1x16xi32> to vector<16xi32>
    %add3A_378 = arith.addi %get3A_377, %get3A_377 : vector<16xi32>
    %lt3A_379 = arith.constant 50048 : i32
    %lt3A_380 = vector.broadcast %lt3A_379 : i32 to vector<16xi32>
    %lt3A_381 = arith.cmpi slt, %get3A_377, %lt3A_380 : vector<16xi32>
    %sub3A_382 = arith.constant 100095 : i32
    %sub3A_383 = vector.broadcast %sub3A_382 : i32 to vector<16xi32>
    %sub3A_384 = arith.subi %add3A_378, %sub3A_383 : vector<16xi32>
    %select_n3A_385 = arith.select %lt3A_381, %add3A_378, %sub3A_384 : vector<16xi1>, vector<16xi32>
    %swap3A_386 = arith.constant 2 : i32
    %swap3A_387 = arith.index_cast %swap3A_386 : i32 to index
    %swap3A_388 = arith.constant 32 : index
    %swap3A_389 = tpu.vector_load %arg6[%swap3A_387, %swap3A_388] {strides = array<i32>} : memref<8x128xi32, #tpu.memory_space<vmem>>, vector<1x16xi32>,
    %swap3A_390 = vector.shape_cast %swap3A_389 : vector<1x16xi32> to vector<16xi32>
    %swap3A_391 = vector.shape_cast %select_n3A_385 : vector<16xi32> to vector<1x16xi32>
    tpu.vector_store %arg6[%swap3A_387, %swap3A_388], %swap3A_391 {strides = array<i32>} : memref<8x128xi32, #tpu.memory_space<vmem>>, vector<1x16xi32>,
    %get3A_392 = arith.constant 2 : i32
    %get3A_393 = arith.index_cast %get3A_392 : i32 to index
    %get3A_394 = arith.constant 48 : index
    %get3A_395 = tpu.vector_load %arg5[%get3A_393, %get3A_394] {strides = array<i32>} : memref<8x128xi32, #tpu.memory_space<vmem>>, vector<1x16xi32>,
    %get3A_396 = vector.shape_cast %get3A_395 : vector<1x16xi32> to vector<16xi32>
    %add3A_397 = arith.addi %get3A_396, %get3A_396 : vector<16xi32>
    %lt3A_398 = arith.constant 50048 : i32
    %lt3A_399 = vector.broadcast %lt3A_398 : i32 to vector<16xi32>
    %lt3A_400 = arith.cmpi slt, %get3A_396, %lt3A_399 : vector<16xi32>
    %sub3A_401 = arith.constant 100095 : i32
    %sub3A_402 = vector.broadcast %sub3A_401 : i32 to vector<16xi32>
    %sub3A_403 = arith.subi %add3A_397, %sub3A_402 : vector<16xi32>
    %select_n3A_404 = arith.select %lt3A_400, %add3A_397, %sub3A_403 : vector<16xi1>, vector<16xi32>
    %swap3A_405 = arith.constant 2 : i32
    %swap3A_406 = arith.index_cast %swap3A_405 : i32 to index
    %swap3A_407 = arith.constant 48 : index
    %swap3A_408 = tpu.vector_load %arg6[%swap3A_406, %swap3A_407] {strides = array<i32>} : memref<8x128xi32, #tpu.memory_space<vmem>>, vector<1x16xi32>,
    %swap3A_409 = vector.shape_cast %swap3A_408 : vector<1x16xi32> to vector<16xi32>
    %swap3A_410 = vector.shape_cast %select_n3A_404 : vector<16xi32> to vector<1x16xi32>
    tpu.vector_store %arg6[%swap3A_406, %swap3A_407], %swap3A_410 {strides = array<i32>} : memref<8x128xi32, #tpu.memory_space<vmem>>, vector<1x16xi32>,
    %get3A_411 = arith.constant 2 : i32
    %get3A_412 = arith.index_cast %get3A_411 : i32 to index
    %get3A_413 = arith.constant 64 : index
    %get3A_414 = tpu.vector_load %arg5[%get3A_412, %get3A_413] {strides = array<i32>} : memref<8x128xi32, #tpu.memory_space<vmem>>, vector<1x16xi32>,
    %get3A_415 = vector.shape_cast %get3A_414 : vector<1x16xi32> to vector<16xi32>
    %add3A_416 = arith.addi %get3A_415, %get3A_415 : vector<16xi32>
    %lt3A_417 = arith.constant 50048 : i32
    %lt3A_418 = vector.broadcast %lt3A_417 : i32 to vector<16xi32>
    %lt3A_419 = arith.cmpi slt, %get3A_415, %lt3A_418 : vector<16xi32>
    %sub3A_420 = arith.constant 100095 : i32
    %sub3A_421 = vector.broadcast %sub3A_420 : i32 to vector<16xi32>
    %sub3A_422 = arith.subi %add3A_416, %sub3A_421 : vector<16xi32>
    %select_n3A_423 = arith.select %lt3A_419, %add3A_416, %sub3A_422 : vector<16xi1>, vector<16xi32>
    %swap3A_424 = arith.constant 2 : i32
    %swap3A_425 = arith.index_cast %swap3A_424 : i32 to index
    %swap3A_426 = arith.constant 64 : index
    %swap3A_427 = tpu.vector_load %arg6[%swap3A_425, %swap3A_426] {strides = array<i32>} : memref<8x128xi32, #tpu.memory_space<vmem>>, vector<1x16xi32>,
    %swap3A_428 = vector.shape_cast %swap3A_427 : vector<1x16xi32> to vector<16xi32>
    %swap3A_429 = vector.shape_cast %select_n3A_423 : vector<16xi32> to vector<1x16xi32>
    tpu.vector_store %arg6[%swap3A_425, %swap3A_426], %swap3A_429 {strides = array<i32>} : memref<8x128xi32, #tpu.memory_space<vmem>>, vector<1x16xi32>,
    %get3A_430 = arith.constant 2 : i32
    %get3A_431 = arith.index_cast %get3A_430 : i32 to index
    %get3A_432 = arith.constant 80 : index
    %get3A_433 = tpu.vector_load %arg5[%get3A_431, %get3A_432] {strides = array<i32>} : memref<8x128xi32, #tpu.memory_space<vmem>>, vector<1x16xi32>,
    %get3A_434 = vector.shape_cast %get3A_433 : vector<1x16xi32> to vector<16xi32>
    %add3A_435 = arith.addi %get3A_434, %get3A_434 : vector<16xi32>
    %lt3A_436 = arith.constant 50048 : i32
    %lt3A_437 = vector.broadcast %lt3A_436 : i32 to vector<16xi32>
    %lt3A_438 = arith.cmpi slt, %get3A_434, %lt3A_437 : vector<16xi32>
    %sub3A_439 = arith.constant 100095 : i32
    %sub3A_440 = vector.broadcast %sub3A_439 : i32 to vector<16xi32>
    %sub3A_441 = arith.subi %add3A_435, %sub3A_440 : vector<16xi32>
    %select_n3A_442 = arith.select %lt3A_438, %add3A_435, %sub3A_441 : vector<16xi1>, vector<16xi32>
    %swap3A_443 = arith.constant 2 : i32
    %swap3A_444 = arith.index_cast %swap3A_443 : i32 to index
    %swap3A_445 = arith.constant 80 : index
    %swap3A_446 = tpu.vector_load %arg6[%swap3A_444, %swap3A_445] {strides = array<i32>} : memref<8x128xi32, #tpu.memory_space<vmem>>, vector<1x16xi32>,
    %swap3A_447 = vector.shape_cast %swap3A_446 : vector<1x16xi32> to vector<16xi32>
    %swap3A_448 = vector.shape_cast %select_n3A_442 : vector<16xi32> to vector<1x16xi32>
    tpu.vector_store %arg6[%swap3A_444, %swap3A_445], %swap3A_448 {strides = array<i32>} : memref<8x128xi32, #tpu.memory_space<vmem>>, vector<1x16xi32>,
    %get3A_449 = arith.constant 2 : i32
    %get3A_450 = arith.index_cast %get3A_449 : i32 to index
    %get3A_451 = arith.constant 96 : index
    %get3A_452 = tpu.vector_load %arg5[%get3A_450, %get3A_451] {strides = array<i32>} : memref<8x128xi32, #tpu.memory_space<vmem>>, vector<1x16xi32>,
    %get3A_453 = vector.shape_cast %get3A_452 : vector<1x16xi32> to vector<16xi32>
    %add3A_454 = arith.addi %get3A_453, %get3A_453 : vector<16xi32>
    %lt3A_455 = arith.constant 50048 : i32
    %lt3A_456 = vector.broadcast %lt3A_455 : i32 to vector<16xi32>
    %lt3A_457 = arith.cmpi slt, %get3A_453, %lt3A_456 : vector<16xi32>
    %sub3A_458 = arith.constant 100095 : i32
    %sub3A_459 = vector.broadcast %sub3A_458 : i32 to vector<16xi32>
    %sub3A_460 = arith.subi %add3A_454, %sub3A_459 : vector<16xi32>
    %select_n3A_461 = arith.select %lt3A_457, %add3A_454, %sub3A_460 : vector<16xi1>, vector<16xi32>
    %swap3A_462 = arith.constant 2 : i32
    %swap3A_463 = arith.index_cast %swap3A_462 : i32 to index
    %swap3A_464 = arith.constant 96 : index
    %swap3A_465 = tpu.vector_load %arg6[%swap3A_463, %swap3A_464] {strides = array<i32>} : memref<8x128xi32, #tpu.memory_space<vmem>>, vector<1x16xi32>,
    %swap3A_466 = vector.shape_cast %swap3A_465 : vector<1x16xi32> to vector<16xi32>
    %swap3A_467 = vector.shape_cast %select_n3A_461 : vector<16xi32> to vector<1x16xi32>
    tpu.vector_store %arg6[%swap3A_463, %swap3A_464], %swap3A_467 {strides = array<i32>} : memref<8x128xi32, #tpu.memory_space<vmem>>, vector<1x16xi32>,
    %get3A_468 = arith.constant 2 : i32
    %get3A_469 = arith.index_cast %get3A_468 : i32 to index
    %get3A_470 = arith.constant 112 : index
    %get3A_471 = tpu.vector_load %arg5[%get3A_469, %get3A_470] {strides = array<i32>} : memref<8x128xi32, #tpu.memory_space<vmem>>, vector<1x16xi32>,
    %get3A_472 = vector.shape_cast %get3A_471 : vector<1x16xi32> to vector<16xi32>
    %add3A_473 = arith.addi %get3A_472, %get3A_472 : vector<16xi32>
    %lt3A_474 = arith.constant 50048 : i32
    %lt3A_475 = vector.broadcast %lt3A_474 : i32 to vector<16xi32>
    %lt3A_476 = arith.cmpi slt, %get3A_472, %lt3A_475 : vector<16xi32>
    %sub3A_477 = arith.constant 100095 : i32
    %sub3A_478 = vector.broadcast %sub3A_477 : i32 to vector<16xi32>
    %sub3A_479 = arith.subi %add3A_473, %sub3A_478 : vector<16xi32>
    %select_n3A_480 = arith.select %lt3A_476, %add3A_473, %sub3A_479 : vector<16xi1>, vector<16xi32>
    %swap3A_481 = arith.constant 2 : i32
    %swap3A_482 = arith.index_cast %swap3A_481 : i32 to index
    %swap3A_483 = arith.constant 112 : index
    %swap3A_484 = tpu.vector_load %arg6[%swap3A_482, %swap3A_483] {strides = array<i32>} : memref<8x128xi32, #tpu.memory_space<vmem>>, vector<1x16xi32>,
    %swap3A_485 = vector.shape_cast %swap3A_484 : vector<1x16xi32> to vector<16xi32>
    %swap3A_486 = vector.shape_cast %select_n3A_480 : vector<16xi32> to vector<1x16xi32>
    tpu.vector_store %arg6[%swap3A_482, %swap3A_483], %swap3A_486 {strides = array<i32>} : memref<8x128xi32, #tpu.memory_space<vmem>>, vector<1x16xi32>,
    %get3A_487 = arith.constant 3 : i32
    %get3A_488 = arith.index_cast %get3A_487 : i32 to index
    %get3A_489 = arith.constant 0 : index
    %get3A_490 = tpu.vector_load %arg5[%get3A_488, %get3A_489] {strides = array<i32>} : memref<8x128xi32, #tpu.memory_space<vmem>>, vector<1x16xi32>,
    %get3A_491 = vector.shape_cast %get3A_490 : vector<1x16xi32> to vector<16xi32>
    %add3A_492 = arith.addi %get3A_491, %get3A_491 : vector<16xi32>
    %lt3A_493 = arith.constant 50048 : i32
    %lt3A_494 = vector.broadcast %lt3A_493 : i32 to vector<16xi32>
    %lt3A_495 = arith.cmpi slt, %get3A_491, %lt3A_494 : vector<16xi32>
    %sub3A_496 = arith.constant 100095 : i32
    %sub3A_497 = vector.broadcast %sub3A_496 : i32 to vector<16xi32>
    %sub3A_498 = arith.subi %add3A_492, %sub3A_497 : vector<16xi32>
    %select_n3A_499 = arith.select %lt3A_495, %add3A_492, %sub3A_498 : vector<16xi1>, vector<16xi32>
    %swap3A_500 = arith.constant 3 : i32
    %swap3A_501 = arith.index_cast %swap3A_500 : i32 to index
    %swap3A_502 = arith.constant 0 : index
    %swap3A_503 = tpu.vector_load %arg6[%swap3A_501, %swap3A_502] {strides = array<i32>} : memref<8x128xi32, #tpu.memory_space<vmem>>, vector<1x16xi32>,
    %swap3A_504 = vector.shape_cast %swap3A_503 : vector<1x16xi32> to vector<16xi32>
    %swap3A_505 = vector.shape_cast %select_n3A_499 : vector<16xi32> to vector<1x16xi32>
    tpu.vector_store %arg6[%swap3A_501, %swap3A_502], %swap3A_505 {strides = array<i32>} : memref<8x128xi32, #tpu.memory_space<vmem>>, vector<1x16xi32>,
    %get3A_506 = arith.constant 3 : i32
    %get3A_507 = arith.index_cast %get3A_506 : i32 to index
    %get3A_508 = arith.constant 16 : index
    %get3A_509 = tpu.vector_load %arg5[%get3A_507, %get3A_508] {strides = array<i32>} : memref<8x128xi32, #tpu.memory_space<vmem>>, vector<1x16xi32>,
    %get3A_510 = vector.shape_cast %get3A_509 : vector<1x16xi32> to vector<16xi32>
    %add3A_511 = arith.addi %get3A_510, %get3A_510 : vector<16xi32>
    %lt3A_512 = arith.constant 50048 : i32
    %lt3A_513 = vector.broadcast %lt3A_512 : i32 to vector<16xi32>
    %lt3A_514 = arith.cmpi slt, %get3A_510, %lt3A_513 : vector<16xi32>
    %sub3A_515 = arith.constant 100095 : i32
    %sub3A_516 = vector.broadcast %sub3A_515 : i32 to vector<16xi32>
    %sub3A_517 = arith.subi %add3A_511, %sub3A_516 : vector<16xi32>
    %select_n3A_518 = arith.select %lt3A_514, %add3A_511, %sub3A_517 : vector<16xi1>, vector<16xi32>
    %swap3A_519 = arith.constant 3 : i32
    %swap3A_520 = arith.index_cast %swap3A_519 : i32 to index
    %swap3A_521 = arith.constant 16 : index
    %swap3A_522 = tpu.vector_load %arg6[%swap3A_520, %swap3A_521] {strides = array<i32>} : memref<8x128xi32, #tpu.memory_space<vmem>>, vector<1x16xi32>,
    %swap3A_523 = vector.shape_cast %swap3A_522 : vector<1x16xi32> to vector<16xi32>
    %swap3A_524 = vector.shape_cast %select_n3A_518 : vector<16xi32> to vector<1x16xi32>
    tpu.vector_store %arg6[%swap3A_520, %swap3A_521], %swap3A_524 {strides = array<i32>} : memref<8x128xi32, #tpu.memory_space<vmem>>, vector<1x16xi32>,
    %get3A_525 = arith.constant 3 : i32
    %get3A_526 = arith.index_cast %get3A_525 : i32 to index
    %get3A_527 = arith.constant 32 : index
    %get3A_528 = tpu.vector_load %arg5[%get3A_526, %get3A_527] {strides = array<i32>} : memref<8x128xi32, #tpu.memory_space<vmem>>, vector<1x16xi32>,
    %get3A_529 = vector.shape_cast %get3A_528 : vector<1x16xi32> to vector<16xi32>
    %add3A_530 = arith.addi %get3A_529, %get3A_529 : vector<16xi32>
    %lt3A_531 = arith.constant 50048 : i32
    %lt3A_532 = vector.broadcast %lt3A_531 : i32 to vector<16xi32>
    %lt3A_533 = arith.cmpi slt, %get3A_529, %lt3A_532 : vector<16xi32>
    %sub3A_534 = arith.constant 100095 : i32
    %sub3A_535 = vector.broadcast %sub3A_534 : i32 to vector<16xi32>
    %sub3A_536 = arith.subi %add3A_530, %sub3A_535 : vector<16xi32>
    %select_n3A_537 = arith.select %lt3A_533, %add3A_530, %sub3A_536 : vector<16xi1>, vector<16xi32>
    %swap3A_538 = arith.constant 3 : i32
    %swap3A_539 = arith.index_cast %swap3A_538 : i32 to index
    %swap3A_540 = arith.constant 32 : index
    %swap3A_541 = tpu.vector_load %arg6[%swap3A_539, %swap3A_540] {strides = array<i32>} : memref<8x128xi32, #tpu.memory_space<vmem>>, vector<1x16xi32>,
    %swap3A_542 = vector.shape_cast %swap3A_541 : vector<1x16xi32> to vector<16xi32>
    %swap3A_543 = vector.shape_cast %select_n3A_537 : vector<16xi32> to vector<1x16xi32>
    tpu.vector_store %arg6[%swap3A_539, %swap3A_540], %swap3A_543 {strides = array<i32>} : memref<8x128xi32, #tpu.memory_space<vmem>>, vector<1x16xi32>,
    %get3A_544 = arith.constant 3 : i32
    %get3A_545 = arith.index_cast %get3A_544 : i32 to index
    %get3A_546 = arith.constant 48 : index
    %get3A_547 = tpu.vector_load %arg5[%get3A_545, %get3A_546] {strides = array<i32>} : memref<8x128xi32, #tpu.memory_space<vmem>>, vector<1x16xi32>,
    %get3A_548 = vector.shape_cast %get3A_547 : vector<1x16xi32> to vector<16xi32>
    %add3A_549 = arith.addi %get3A_548, %get3A_548 : vector<16xi32>
    %lt3A_550 = arith.constant 50048 : i32
    %lt3A_551 = vector.broadcast %lt3A_550 : i32 to vector<16xi32>
    %lt3A_552 = arith.cmpi slt, %get3A_548, %lt3A_551 : vector<16xi32>
    %sub3A_553 = arith.constant 100095 : i32
    %sub3A_554 = vector.broadcast %sub3A_553 : i32 to vector<16xi32>
    %sub3A_555 = arith.subi %add3A_549, %sub3A_554 : vector<16xi32>
    %select_n3A_556 = arith.select %lt3A_552, %add3A_549, %sub3A_555 : vector<16xi1>, vector<16xi32>
    %swap3A_557 = arith.constant 3 : i32
    %swap3A_558 = arith.index_cast %swap3A_557 : i32 to index
    %swap3A_559 = arith.constant 48 : index
    %swap3A_560 = tpu.vector_load %arg6[%swap3A_558, %swap3A_559] {strides = array<i32>} : memref<8x128xi32, #tpu.memory_space<vmem>>, vector<1x16xi32>,
    %swap3A_561 = vector.shape_cast %swap3A_560 : vector<1x16xi32> to vector<16xi32>
    %swap3A_562 = vector.shape_cast %select_n3A_556 : vector<16xi32> to vector<1x16xi32>
    tpu.vector_store %arg6[%swap3A_558, %swap3A_559], %swap3A_562 {strides = array<i32>} : memref<8x128xi32, #tpu.memory_space<vmem>>, vector<1x16xi32>,
    %get3A_563 = arith.constant 3 : i32
    %get3A_564 = arith.index_cast %get3A_563 : i32 to index
    %get3A_565 = arith.constant 64 : index
    %get3A_566 = tpu.vector_load %arg5[%get3A_564, %get3A_565] {strides = array<i32>} : memref<8x128xi32, #tpu.memory_space<vmem>>, vector<1x16xi32>,
    %get3A_567 = vector.shape_cast %get3A_566 : vector<1x16xi32> to vector<16xi32>
    %add3A_568 = arith.addi %get3A_567, %get3A_567 : vector<16xi32>
    %lt3A_569 = arith.constant 50048 : i32
    %lt3A_570 = vector.broadcast %lt3A_569 : i32 to vector<16xi32>
    %lt3A_571 = arith.cmpi slt, %get3A_567, %lt3A_570 : vector<16xi32>
    %sub3A_572 = arith.constant 100095 : i32
    %sub3A_573 = vector.broadcast %sub3A_572 : i32 to vector<16xi32>
    %sub3A_574 = arith.subi %add3A_568, %sub3A_573 : vector<16xi32>
    %select_n3A_575 = arith.select %lt3A_571, %add3A_568, %sub3A_574 : vector<16xi1>, vector<16xi32>
    %swap3A_576 = arith.constant 3 : i32
    %swap3A_577 = arith.index_cast %swap3A_576 : i32 to index
    %swap3A_578 = arith.constant 64 : index
    %swap3A_579 = tpu.vector_load %arg6[%swap3A_577, %swap3A_578] {strides = array<i32>} : memref<8x128xi32, #tpu.memory_space<vmem>>, vector<1x16xi32>,
    %swap3A_580 = vector.shape_cast %swap3A_579 : vector<1x16xi32> to vector<16xi32>
    %swap3A_581 = vector.shape_cast %select_n3A_575 : vector<16xi32> to vector<1x16xi32>
    tpu.vector_store %arg6[%swap3A_577, %swap3A_578], %swap3A_581 {strides = array<i32>} : memref<8x128xi32, #tpu.memory_space<vmem>>, vector<1x16xi32>,
    %get3A_582 = arith.constant 3 : i32
    %get3A_583 = arith.index_cast %get3A_582 : i32 to index
    %get3A_584 = arith.constant 80 : index
    %get3A_585 = tpu.vector_load %arg5[%get3A_583, %get3A_584] {strides = array<i32>} : memref<8x128xi32, #tpu.memory_space<vmem>>, vector<1x16xi32>,
    %get3A_586 = vector.shape_cast %get3A_585 : vector<1x16xi32> to vector<16xi32>
    %add3A_587 = arith.addi %get3A_586, %get3A_586 : vector<16xi32>
    %lt3A_588 = arith.constant 50048 : i32
    %lt3A_589 = vector.broadcast %lt3A_588 : i32 to vector<16xi32>
    %lt3A_590 = arith.cmpi slt, %get3A_586, %lt3A_589 : vector<16xi32>
    %sub3A_591 = arith.constant 100095 : i32
    %sub3A_592 = vector.broadcast %sub3A_591 : i32 to vector<16xi32>
    %sub3A_593 = arith.subi %add3A_587, %sub3A_592 : vector<16xi32>
    %select_n3A_594 = arith.select %lt3A_590, %add3A_587, %sub3A_593 : vector<16xi1>, vector<16xi32>
    %swap3A_595 = arith.constant 3 : i32
    %swap3A_596 = arith.index_cast %swap3A_595 : i32 to index
    %swap3A_597 = arith.constant 80 : index
    %swap3A_598 = tpu.vector_load %arg6[%swap3A_596, %swap3A_597] {strides = array<i32>} : memref<8x128xi32, #tpu.memory_space<vmem>>, vector<1x16xi32>,
    %swap3A_599 = vector.shape_cast %swap3A_598 : vector<1x16xi32> to vector<16xi32>
    %swap3A_600 = vector.shape_cast %select_n3A_594 : vector<16xi32> to vector<1x16xi32>
    tpu.vector_store %arg6[%swap3A_596, %swap3A_597], %swap3A_600 {strides = array<i32>} : memref<8x128xi32, #tpu.memory_space<vmem>>, vector<1x16xi32>,
    %get3A_601 = arith.constant 3 : i32
    %get3A_602 = arith.index_cast %get3A_601 : i32 to index
    %get3A_603 = arith.constant 96 : index
    %get3A_604 = tpu.vector_load %arg5[%get3A_602, %get3A_603] {strides = array<i32>} : memref<8x128xi32, #tpu.memory_space<vmem>>, vector<1x16xi32>,
    %get3A_605 = vector.shape_cast %get3A_604 : vector<1x16xi32> to vector<16xi32>
    %add3A_606 = arith.addi %get3A_605, %get3A_605 : vector<16xi32>
    %lt3A_607 = arith.constant 50048 : i32
    %lt3A_608 = vector.broadcast %lt3A_607 : i32 to vector<16xi32>
    %lt3A_609 = arith.cmpi slt, %get3A_605, %lt3A_608 : vector<16xi32>
    %sub3A_610 = arith.constant 100095 : i32
    %sub3A_611 = vector.broadcast %sub3A_610 : i32 to vector<16xi32>
    %sub3A_612 = arith.subi %add3A_606, %sub3A_611 : vector<16xi32>
    %select_n3A_613 = arith.select %lt3A_609, %add3A_606, %sub3A_612 : vector<16xi1>, vector<16xi32>
    %swap3A_614 = arith.constant 3 : i32
    %swap3A_615 = arith.index_cast %swap3A_614 : i32 to index
    %swap3A_616 = arith.constant 96 : index
    %swap3A_617 = tpu.vector_load %arg6[%swap3A_615, %swap3A_616] {strides = array<i32>} : memref<8x128xi32, #tpu.memory_space<vmem>>, vector<1x16xi32>,
    %swap3A_618 = vector.shape_cast %swap3A_617 : vector<1x16xi32> to vector<16xi32>
    %swap3A_619 = vector.shape_cast %select_n3A_613 : vector<16xi32> to vector<1x16xi32>
    tpu.vector_store %arg6[%swap3A_615, %swap3A_616], %swap3A_619 {strides = array<i32>} : memref<8x128xi32, #tpu.memory_space<vmem>>, vector<1x16xi32>,
    %get3A_620 = arith.constant 3 : i32
    %get3A_621 = arith.index_cast %get3A_620 : i32 to index
    %get3A_622 = arith.constant 112 : index
    %get3A_623 = tpu.vector_load %arg5[%get3A_621, %get3A_622] {strides = array<i32>} : memref<8x128xi32, #tpu.memory_space<vmem>>, vector<1x16xi32>,
    %get3A_624 = vector.shape_cast %get3A_623 : vector<1x16xi32> to vector<16xi32>
    %add3A_625 = arith.addi %get3A_624, %get3A_624 : vector<16xi32>
    %lt3A_626 = arith.constant 50048 : i32
    %lt3A_627 = vector.broadcast %lt3A_626 : i32 to vector<16xi32>
    %lt3A_628 = arith.cmpi slt, %get3A_624, %lt3A_627 : vector<16xi32>
    %sub3A_629 = arith.constant 100095 : i32
    %sub3A_630 = vector.broadcast %sub3A_629 : i32 to vector<16xi32>
    %sub3A_631 = arith.subi %add3A_625, %sub3A_630 : vector<16xi32>
    %select_n3A_632 = arith.select %lt3A_628, %add3A_625, %sub3A_631 : vector<16xi1>, vector<16xi32>
    %swap3A_633 = arith.constant 3 : i32
    %swap3A_634 = arith.index_cast %swap3A_633 : i32 to index
    %swap3A_635 = arith.constant 112 : index
    %swap3A_636 = tpu.vector_load %arg6[%swap3A_634, %swap3A_635] {strides = array<i32>} : memref<8x128xi32, #tpu.memory_space<vmem>>, vector<1x16xi32>,
    %swap3A_637 = vector.shape_cast %swap3A_636 : vector<1x16xi32> to vector<16xi32>
    %swap3A_638 = vector.shape_cast %select_n3A_632 : vector<16xi32> to vector<1x16xi32>
    tpu.vector_store %arg6[%swap3A_634, %swap3A_635], %swap3A_638 {strides = array<i32>} : memref<8x128xi32, #tpu.memory_space<vmem>>, vector<1x16xi32>,
    %get3A_639 = arith.constant 4 : i32
    %get3A_640 = arith.index_cast %get3A_639 : i32 to index
    %get3A_641 = arith.constant 0 : index
    %get3A_642 = tpu.vector_load %arg5[%get3A_640, %get3A_641] {strides = array<i32>} : memref<8x128xi32, #tpu.memory_space<vmem>>, vector<1x16xi32>,
    %get3A_643 = vector.shape_cast %get3A_642 : vector<1x16xi32> to vector<16xi32>
    %add3A_644 = arith.addi %get3A_643, %get3A_643 : vector<16xi32>
    %lt3A_645 = arith.constant 50048 : i32
    %lt3A_646 = vector.broadcast %lt3A_645 : i32 to vector<16xi32>
    %lt3A_647 = arith.cmpi slt, %get3A_643, %lt3A_646 : vector<16xi32>
    %sub3A_648 = arith.constant 100095 : i32
    %sub3A_649 = vector.broadcast %sub3A_648 : i32 to vector<16xi32>
    %sub3A_650 = arith.subi %add3A_644, %sub3A_649 : vector<16xi32>
    %select_n3A_651 = arith.select %lt3A_647, %add3A_644, %sub3A_650 : vector<16xi1>, vector<16xi32>
    %swap3A_652 = arith.constant 4 : i32
    %swap3A_653 = arith.index_cast %swap3A_652 : i32 to index
    %swap3A_654 = arith.constant 0 : index
    %swap3A_655 = tpu.vector_load %arg6[%swap3A_653, %swap3A_654] {strides = array<i32>} : memref<8x128xi32, #tpu.memory_space<vmem>>, vector<1x16xi32>,
    %swap3A_656 = vector.shape_cast %swap3A_655 : vector<1x16xi32> to vector<16xi32>
    %swap3A_657 = vector.shape_cast %select_n3A_651 : vector<16xi32> to vector<1x16xi32>
    tpu.vector_store %arg6[%swap3A_653, %swap3A_654], %swap3A_657 {strides = array<i32>} : memref<8x128xi32, #tpu.memory_space<vmem>>, vector<1x16xi32>,
    %get3A_658 = arith.constant 4 : i32
    %get3A_659 = arith.index_cast %get3A_658 : i32 to index
    %get3A_660 = arith.constant 16 : index
    %get3A_661 = tpu.vector_load %arg5[%get3A_659, %get3A_660] {strides = array<i32>} : memref<8x128xi32, #tpu.memory_space<vmem>>, vector<1x16xi32>,
    %get3A_662 = vector.shape_cast %get3A_661 : vector<1x16xi32> to vector<16xi32>
    %add3A_663 = arith.addi %get3A_662, %get3A_662 : vector<16xi32>
    %lt3A_664 = arith.constant 50048 : i32
    %lt3A_665 = vector.broadcast %lt3A_664 : i32 to vector<16xi32>
    %lt3A_666 = arith.cmpi slt, %get3A_662, %lt3A_665 : vector<16xi32>
    %sub3A_667 = arith.constant 100095 : i32
    %sub3A_668 = vector.broadcast %sub3A_667 : i32 to vector<16xi32>
    %sub3A_669 = arith.subi %add3A_663, %sub3A_668 : vector<16xi32>
    %select_n3A_670 = arith.select %lt3A_666, %add3A_663, %sub3A_669 : vector<16xi1>, vector<16xi32>
    %swap3A_671 = arith.constant 4 : i32
    %swap3A_672 = arith.index_cast %swap3A_671 : i32 to index
    %swap3A_673 = arith.constant 16 : index
    %swap3A_674 = tpu.vector_load %arg6[%swap3A_672, %swap3A_673] {strides = array<i32>} : memref<8x128xi32, #tpu.memory_space<vmem>>, vector<1x16xi32>,
    %swap3A_675 = vector.shape_cast %swap3A_674 : vector<1x16xi32> to vector<16xi32>
    %swap3A_676 = vector.shape_cast %select_n3A_670 : vector<16xi32> to vector<1x16xi32>
    tpu.vector_store %arg6[%swap3A_672, %swap3A_673], %swap3A_676 {strides = array<i32>} : memref<8x128xi32, #tpu.memory_space<vmem>>, vector<1x16xi32>,
    %get3A_677 = arith.constant 4 : i32
    %get3A_678 = arith.index_cast %get3A_677 : i32 to index
    %get3A_679 = arith.constant 32 : index
    %get3A_680 = tpu.vector_load %arg5[%get3A_678, %get3A_679] {strides = array<i32>} : memref<8x128xi32, #tpu.memory_space<vmem>>, vector<1x16xi32>,
    %get3A_681 = vector.shape_cast %get3A_680 : vector<1x16xi32> to vector<16xi32>
    %add3A_682 = arith.addi %get3A_681, %get3A_681 : vector<16xi32>
    %lt3A_683 = arith.constant 50048 : i32
    %lt3A_684 = vector.broadcast %lt3A_683 : i32 to vector<16xi32>
    %lt3A_685 = arith.cmpi slt, %get3A_681, %lt3A_684 : vector<16xi32>
    %sub3A_686 = arith.constant 100095 : i32
    %sub3A_687 = vector.broadcast %sub3A_686 : i32 to vector<16xi32>
    %sub3A_688 = arith.subi %add3A_682, %sub3A_687 : vector<16xi32>
    %select_n3A_689 = arith.select %lt3A_685, %add3A_682, %sub3A_688 : vector<16xi1>, vector<16xi32>
    %swap3A_690 = arith.constant 4 : i32
    %swap3A_691 = arith.index_cast %swap3A_690 : i32 to index
    %swap3A_692 = arith.constant 32 : index
    %swap3A_693 = tpu.vector_load %arg6[%swap3A_691, %swap3A_692] {strides = array<i32>} : memref<8x128xi32, #tpu.memory_space<vmem>>, vector<1x16xi32>,
    %swap3A_694 = vector.shape_cast %swap3A_693 : vector<1x16xi32> to vector<16xi32>
    %swap3A_695 = vector.shape_cast %select_n3A_689 : vector<16xi32> to vector<1x16xi32>
    tpu.vector_store %arg6[%swap3A_691, %swap3A_692], %swap3A_695 {strides = array<i32>} : memref<8x128xi32, #tpu.memory_space<vmem>>, vector<1x16xi32>,
    %get3A_696 = arith.constant 4 : i32
    %get3A_697 = arith.index_cast %get3A_696 : i32 to index
    %get3A_698 = arith.constant 48 : index
    %get3A_699 = tpu.vector_load %arg5[%get3A_697, %get3A_698] {strides = array<i32>} : memref<8x128xi32, #tpu.memory_space<vmem>>, vector<1x16xi32>,
    %get3A_700 = vector.shape_cast %get3A_699 : vector<1x16xi32> to vector<16xi32>
    %add3A_701 = arith.addi %get3A_700, %get3A_700 : vector<16xi32>
    %lt3A_702 = arith.constant 50048 : i32
    %lt3A_703 = vector.broadcast %lt3A_702 : i32 to vector<16xi32>
    %lt3A_704 = arith.cmpi slt, %get3A_700, %lt3A_703 : vector<16xi32>
    %sub3A_705 = arith.constant 100095 : i32
    %sub3A_706 = vector.broadcast %sub3A_705 : i32 to vector<16xi32>
    %sub3A_707 = arith.subi %add3A_701, %sub3A_706 : vector<16xi32>
    %select_n3A_708 = arith.select %lt3A_704, %add3A_701, %sub3A_707 : vector<16xi1>, vector<16xi32>
    %swap3A_709 = arith.constant 4 : i32
    %swap3A_710 = arith.index_cast %swap3A_709 : i32 to index
    %swap3A_711 = arith.constant 48 : index
    %swap3A_712 = tpu.vector_load %arg6[%swap3A_710, %swap3A_711] {strides = array<i32>} : memref<8x128xi32, #tpu.memory_space<vmem>>, vector<1x16xi32>,
    %swap3A_713 = vector.shape_cast %swap3A_712 : vector<1x16xi32> to vector<16xi32>
    %swap3A_714 = vector.shape_cast %select_n3A_708 : vector<16xi32> to vector<1x16xi32>
    tpu.vector_store %arg6[%swap3A_710, %swap3A_711], %swap3A_714 {strides = array<i32>} : memref<8x128xi32, #tpu.memory_space<vmem>>, vector<1x16xi32>,
    %get3A_715 = arith.constant 4 : i32
    %get3A_716 = arith.index_cast %get3A_715 : i32 to index
    %get3A_717 = arith.constant 64 : index
    %get3A_718 = tpu.vector_load %arg5[%get3A_716, %get3A_717] {strides = array<i32>} : memref<8x128xi32, #tpu.memory_space<vmem>>, vector<1x16xi32>,
    %get3A_719 = vector.shape_cast %get3A_718 : vector<1x16xi32> to vector<16xi32>
    %add3A_720 = arith.addi %get3A_719, %get3A_719 : vector<16xi32>
    %lt3A_721 = arith.constant 50048 : i32
    %lt3A_722 = vector.broadcast %lt3A_721 : i32 to vector<16xi32>
    %lt3A_723 = arith.cmpi slt, %get3A_719, %lt3A_722 : vector<16xi32>
    %sub3A_724 = arith.constant 100095 : i32
    %sub3A_725 = vector.broadcast %sub3A_724 : i32 to vector<16xi32>
    %sub3A_726 = arith.subi %add3A_720, %sub3A_725 : vector<16xi32>
    %select_n3A_727 = arith.select %lt3A_723, %add3A_720, %sub3A_726 : vector<16xi1>, vector<16xi32>
    %swap3A_728 = arith.constant 4 : i32
    %swap3A_729 = arith.index_cast %swap3A_728 : i32 to index
    %swap3A_730 = arith.constant 64 : index
    %swap3A_731 = tpu.vector_load %arg6[%swap3A_729, %swap3A_730] {strides = array<i32>} : memref<8x128xi32, #tpu.memory_space<vmem>>, vector<1x16xi32>,
    %swap3A_732 = vector.shape_cast %swap3A_731 : vector<1x16xi32> to vector<16xi32>
    %swap3A_733 = vector.shape_cast %select_n3A_727 : vector<16xi32> to vector<1x16xi32>
    tpu.vector_store %arg6[%swap3A_729, %swap3A_730], %swap3A_733 {strides = array<i32>} : memref<8x128xi32, #tpu.memory_space<vmem>>, vector<1x16xi32>,
    %get3A_734 = arith.constant 4 : i32
    %get3A_735 = arith.index_cast %get3A_734 : i32 to index
    %get3A_736 = arith.constant 80 : index
    %get3A_737 = tpu.vector_load %arg5[%get3A_735, %get3A_736] {strides = array<i32>} : memref<8x128xi32, #tpu.memory_space<vmem>>, vector<1x16xi32>,
    %get3A_738 = vector.shape_cast %get3A_737 : vector<1x16xi32> to vector<16xi32>
    %add3A_739 = arith.addi %get3A_738, %get3A_738 : vector<16xi32>
    %lt3A_740 = arith.constant 50048 : i32
    %lt3A_741 = vector.broadcast %lt3A_740 : i32 to vector<16xi32>
    %lt3A_742 = arith.cmpi slt, %get3A_738, %lt3A_741 : vector<16xi32>
    %sub3A_743 = arith.constant 100095 : i32
    %sub3A_744 = vector.broadcast %sub3A_743 : i32 to vector<16xi32>
    %sub3A_745 = arith.subi %add3A_739, %sub3A_744 : vector<16xi32>
    %select_n3A_746 = arith.select %lt3A_742, %add3A_739, %sub3A_745 : vector<16xi1>, vector<16xi32>
    %swap3A_747 = arith.constant 4 : i32
    %swap3A_748 = arith.index_cast %swap3A_747 : i32 to index
    %swap3A_749 = arith.constant 80 : index
    %swap3A_750 = tpu.vector_load %arg6[%swap3A_748, %swap3A_749] {strides = array<i32>} : memref<8x128xi32, #tpu.memory_space<vmem>>, vector<1x16xi32>,
    %swap3A_751 = vector.shape_cast %swap3A_750 : vector<1x16xi32> to vector<16xi32>
    %swap3A_752 = vector.shape_cast %select_n3A_746 : vector<16xi32> to vector<1x16xi32>
    tpu.vector_store %arg6[%swap3A_748, %swap3A_749], %swap3A_752 {strides = array<i32>} : memref<8x128xi32, #tpu.memory_space<vmem>>, vector<1x16xi32>,
    %get3A_753 = arith.constant 4 : i32
    %get3A_754 = arith.index_cast %get3A_753 : i32 to index
    %get3A_755 = arith.constant 96 : index
    %get3A_756 = tpu.vector_load %arg5[%get3A_754, %get3A_755] {strides = array<i32>} : memref<8x128xi32, #tpu.memory_space<vmem>>, vector<1x16xi32>,
    %get3A_757 = vector.shape_cast %get3A_756 : vector<1x16xi32> to vector<16xi32>
    %add3A_758 = arith.addi %get3A_757, %get3A_757 : vector<16xi32>
    %lt3A_759 = arith.constant 50048 : i32
    %lt3A_760 = vector.broadcast %lt3A_759 : i32 to vector<16xi32>
    %lt3A_761 = arith.cmpi slt, %get3A_757, %lt3A_760 : vector<16xi32>
    %sub3A_762 = arith.constant 100095 : i32
    %sub3A_763 = vector.broadcast %sub3A_762 : i32 to vector<16xi32>
    %sub3A_764 = arith.subi %add3A_758, %sub3A_763 : vector<16xi32>
    %select_n3A_765 = arith.select %lt3A_761, %add3A_758, %sub3A_764 : vector<16xi1>, vector<16xi32>
    %swap3A_766 = arith.constant 4 : i32
    %swap3A_767 = arith.index_cast %swap3A_766 : i32 to index
    %swap3A_768 = arith.constant 96 : index
    %swap3A_769 = tpu.vector_load %arg6[%swap3A_767, %swap3A_768] {strides = array<i32>} : memref<8x128xi32, #tpu.memory_space<vmem>>, vector<1x16xi32>,
    %swap3A_770 = vector.shape_cast %swap3A_769 : vector<1x16xi32> to vector<16xi32>
    %swap3A_771 = vector.shape_cast %select_n3A_765 : vector<16xi32> to vector<1x16xi32>
    tpu.vector_store %arg6[%swap3A_767, %swap3A_768], %swap3A_771 {strides = array<i32>} : memref<8x128xi32, #tpu.memory_space<vmem>>, vector<1x16xi32>,
    %get3A_772 = arith.constant 4 : i32
    %get3A_773 = arith.index_cast %get3A_772 : i32 to index
    %get3A_774 = arith.constant 112 : index
    %get3A_775 = tpu.vector_load %arg5[%get3A_773, %get3A_774] {strides = array<i32>} : memref<8x128xi32, #tpu.memory_space<vmem>>, vector<1x16xi32>,
    %get3A_776 = vector.shape_cast %get3A_775 : vector<1x16xi32> to vector<16xi32>
    %add3A_777 = arith.addi %get3A_776, %get3A_776 : vector<16xi32>
    %lt3A_778 = arith.constant 50048 : i32
    %lt3A_779 = vector.broadcast %lt3A_778 : i32 to vector<16xi32>
    %lt3A_780 = arith.cmpi slt, %get3A_776, %lt3A_779 : vector<16xi32>
    %sub3A_781 = arith.constant 100095 : i32
    %sub3A_782 = vector.broadcast %sub3A_781 : i32 to vector<16xi32>
    %sub3A_783 = arith.subi %add3A_777, %sub3A_782 : vector<16xi32>
    %select_n3A_784 = arith.select %lt3A_780, %add3A_777, %sub3A_783 : vector<16xi1>, vector<16xi32>
    %swap3A_785 = arith.constant 4 : i32
    %swap3A_786 = arith.index_cast %swap3A_785 : i32 to index
    %swap3A_787 = arith.constant 112 : index
    %swap3A_788 = tpu.vector_load %arg6[%swap3A_786, %swap3A_787] {strides = array<i32>} : memref<8x128xi32, #tpu.memory_space<vmem>>, vector<1x16xi32>,
    %swap3A_789 = vector.shape_cast %swap3A_788 : vector<1x16xi32> to vector<16xi32>
    %swap3A_790 = vector.shape_cast %select_n3A_784 : vector<16xi32> to vector<1x16xi32>
    tpu.vector_store %arg6[%swap3A_786, %swap3A_787], %swap3A_790 {strides = array<i32>} : memref<8x128xi32, #tpu.memory_space<vmem>>, vector<1x16xi32>,
    %get3A_791 = arith.constant 5 : i32
    %get3A_792 = arith.index_cast %get3A_791 : i32 to index
    %get3A_793 = arith.constant 0 : index
    %get3A_794 = tpu.vector_load %arg5[%get3A_792, %get3A_793] {strides = array<i32>} : memref<8x128xi32, #tpu.memory_space<vmem>>, vector<1x16xi32>,
    %get3A_795 = vector.shape_cast %get3A_794 : vector<1x16xi32> to vector<16xi32>
    %add3A_796 = arith.addi %get3A_795, %get3A_795 : vector<16xi32>
    %lt3A_797 = arith.constant 50048 : i32
    %lt3A_798 = vector.broadcast %lt3A_797 : i32 to vector<16xi32>
    %lt3A_799 = arith.cmpi slt, %get3A_795, %lt3A_798 : vector<16xi32>
    %sub3A_800 = arith.constant 100095 : i32
    %sub3A_801 = vector.broadcast %sub3A_800 : i32 to vector<16xi32>
    %sub3A_802 = arith.subi %add3A_796, %sub3A_801 : vector<16xi32>
    %select_n3A_803 = arith.select %lt3A_799, %add3A_796, %sub3A_802 : vector<16xi1>, vector<16xi32>
    %swap3A_804 = arith.constant 5 : i32
    %swap3A_805 = arith.index_cast %swap3A_804 : i32 to index
    %swap3A_806 = arith.constant 0 : index
    %swap3A_807 = tpu.vector_load %arg6[%swap3A_805, %swap3A_806] {strides = array<i32>} : memref<8x128xi32, #tpu.memory_space<vmem>>, vector<1x16xi32>,
    %swap3A_808 = vector.shape_cast %swap3A_807 : vector<1x16xi32> to vector<16xi32>
    %swap3A_809 = vector.shape_cast %select_n3A_803 : vector<16xi32> to vector<1x16xi32>
    tpu.vector_store %arg6[%swap3A_805, %swap3A_806], %swap3A_809 {strides = array<i32>} : memref<8x128xi32, #tpu.memory_space<vmem>>, vector<1x16xi32>,
    %get3A_810 = arith.constant 5 : i32
    %get3A_811 = arith.index_cast %get3A_810 : i32 to index
    %get3A_812 = arith.constant 16 : index
    %get3A_813 = tpu.vector_load %arg5[%get3A_811, %get3A_812] {strides = array<i32>} : memref<8x128xi32, #tpu.memory_space<vmem>>, vector<1x16xi32>,
    %get3A_814 = vector.shape_cast %get3A_813 : vector<1x16xi32> to vector<16xi32>
    %add3A_815 = arith.addi %get3A_814, %get3A_814 : vector<16xi32>
    %lt3A_816 = arith.constant 50048 : i32
    %lt3A_817 = vector.broadcast %lt3A_816 : i32 to vector<16xi32>
    %lt3A_818 = arith.cmpi slt, %get3A_814, %lt3A_817 : vector<16xi32>
    %sub3A_819 = arith.constant 100095 : i32
    %sub3A_820 = vector.broadcast %sub3A_819 : i32 to vector<16xi32>
    %sub3A_821 = arith.subi %add3A_815, %sub3A_820 : vector<16xi32>
    %select_n3A_822 = arith.select %lt3A_818, %add3A_815, %sub3A_821 : vector<16xi1>, vector<16xi32>
    %swap3A_823 = arith.constant 5 : i32
    %swap3A_824 = arith.index_cast %swap3A_823 : i32 to index
    %swap3A_825 = arith.constant 16 : index
    %swap3A_826 = tpu.vector_load %arg6[%swap3A_824, %swap3A_825] {strides = array<i32>} : memref<8x128xi32, #tpu.memory_space<vmem>>, vector<1x16xi32>,
    %swap3A_827 = vector.shape_cast %swap3A_826 : vector<1x16xi32> to vector<16xi32>
    %swap3A_828 = vector.shape_cast %select_n3A_822 : vector<16xi32> to vector<1x16xi32>
    tpu.vector_store %arg6[%swap3A_824, %swap3A_825], %swap3A_828 {strides = array<i32>} : memref<8x128xi32, #tpu.memory_space<vmem>>, vector<1x16xi32>,
    %get3A_829 = arith.constant 5 : i32
    %get3A_830 = arith.index_cast %get3A_829 : i32 to index
    %get3A_831 = arith.constant 32 : index
    %get3A_832 = tpu.vector_load %arg5[%get3A_830, %get3A_831] {strides = array<i32>} : memref<8x128xi32, #tpu.memory_space<vmem>>, vector<1x16xi32>,
    %get3A_833 = vector.shape_cast %get3A_832 : vector<1x16xi32> to vector<16xi32>
    %add3A_834 = arith.addi %get3A_833, %get3A_833 : vector<16xi32>
    %lt3A_835 = arith.constant 50048 : i32
    %lt3A_836 = vector.broadcast %lt3A_835 : i32 to vector<16xi32>
    %lt3A_837 = arith.cmpi slt, %get3A_833, %lt3A_836 : vector<16xi32>
    %sub3A_838 = arith.constant 100095 : i32
    %sub3A_839 = vector.broadcast %sub3A_838 : i32 to vector<16xi32>
    %sub3A_840 = arith.subi %add3A_834, %sub3A_839 : vector<16xi32>
    %select_n3A_841 = arith.select %lt3A_837, %add3A_834, %sub3A_840 : vector<16xi1>, vector<16xi32>
    %swap3A_842 = arith.constant 5 : i32
    %swap3A_843 = arith.index_cast %swap3A_842 : i32 to index
    %swap3A_844 = arith.constant 32 : index
    %swap3A_845 = tpu.vector_load %arg6[%swap3A_843, %swap3A_844] {strides = array<i32>} : memref<8x128xi32, #tpu.memory_space<vmem>>, vector<1x16xi32>,
    %swap3A_846 = vector.shape_cast %swap3A_845 : vector<1x16xi32> to vector<16xi32>
    %swap3A_847 = vector.shape_cast %select_n3A_841 : vector<16xi32> to vector<1x16xi32>
    tpu.vector_store %arg6[%swap3A_843, %swap3A_844], %swap3A_847 {strides = array<i32>} : memref<8x128xi32, #tpu.memory_space<vmem>>, vector<1x16xi32>,
    %get3A_848 = arith.constant 5 : i32
    %get3A_849 = arith.index_cast %get3A_848 : i32 to index
    %get3A_850 = arith.constant 48 : index
    %get3A_851 = tpu.vector_load %arg5[%get3A_849, %get3A_850] {strides = array<i32>} : memref<8x128xi32, #tpu.memory_space<vmem>>, vector<1x16xi32>,
    %get3A_852 = vector.shape_cast %get3A_851 : vector<1x16xi32> to vector<16xi32>
    %add3A_853 = arith.addi %get3A_852, %get3A_852 : vector<16xi32>
    %lt3A_854 = arith.constant 50048 : i32
    %lt3A_855 = vector.broadcast %lt3A_854 : i32 to vector<16xi32>
    %lt3A_856 = arith.cmpi slt, %get3A_852, %lt3A_855 : vector<16xi32>
    %sub3A_857 = arith.constant 100095 : i32
    %sub3A_858 = vector.broadcast %sub3A_857 : i32 to vector<16xi32>
    %sub3A_859 = arith.subi %add3A_853, %sub3A_858 : vector<16xi32>
    %select_n3A_860 = arith.select %lt3A_856, %add3A_853, %sub3A_859 : vector<16xi1>, vector<16xi32>
    %swap3A_861 = arith.constant 5 : i32
    %swap3A_862 = arith.index_cast %swap3A_861 : i32 to index
    %swap3A_863 = arith.constant 48 : index
    %swap3A_864 = tpu.vector_load %arg6[%swap3A_862, %swap3A_863] {strides = array<i32>} : memref<8x128xi32, #tpu.memory_space<vmem>>, vector<1x16xi32>,
    %swap3A_865 = vector.shape_cast %swap3A_864 : vector<1x16xi32> to vector<16xi32>
    %swap3A_866 = vector.shape_cast %select_n3A_860 : vector<16xi32> to vector<1x16xi32>
    tpu.vector_store %arg6[%swap3A_862, %swap3A_863], %swap3A_866 {strides = array<i32>} : memref<8x128xi32, #tpu.memory_space<vmem>>, vector<1x16xi32>,
    %get3A_867 = arith.constant 5 : i32
    %get3A_868 = arith.index_cast %get3A_867 : i32 to index
    %get3A_869 = arith.constant 64 : index
    %get3A_870 = tpu.vector_load %arg5[%get3A_868, %get3A_869] {strides = array<i32>} : memref<8x128xi32, #tpu.memory_space<vmem>>, vector<1x16xi32>,
    %get3A_871 = vector.shape_cast %get3A_870 : vector<1x16xi32> to vector<16xi32>
    %add3A_872 = arith.addi %get3A_871, %get3A_871 : vector<16xi32>
    %lt3A_873 = arith.constant 50048 : i32
    %lt3A_874 = vector.broadcast %lt3A_873 : i32 to vector<16xi32>
    %lt3A_875 = arith.cmpi slt, %get3A_871, %lt3A_874 : vector<16xi32>
    %sub3A_876 = arith.constant 100095 : i32
    %sub3A_877 = vector.broadcast %sub3A_876 : i32 to vector<16xi32>
    %sub3A_878 = arith.subi %add3A_872, %sub3A_877 : vector<16xi32>
    %select_n3A_879 = arith.select %lt3A_875, %add3A_872, %sub3A_878 : vector<16xi1>, vector<16xi32>
    %swap3A_880 = arith.constant 5 : i32
    %swap3A_881 = arith.index_cast %swap3A_880 : i32 to index
    %swap3A_882 = arith.constant 64 : index
    %swap3A_883 = tpu.vector_load %arg6[%swap3A_881, %swap3A_882] {strides = array<i32>} : memref<8x128xi32, #tpu.memory_space<vmem>>, vector<1x16xi32>,
    %swap3A_884 = vector.shape_cast %swap3A_883 : vector<1x16xi32> to vector<16xi32>
    %swap3A_885 = vector.shape_cast %select_n3A_879 : vector<16xi32> to vector<1x16xi32>
    tpu.vector_store %arg6[%swap3A_881, %swap3A_882], %swap3A_885 {strides = array<i32>} : memref<8x128xi32, #tpu.memory_space<vmem>>, vector<1x16xi32>,
    %get3A_886 = arith.constant 5 : i32
    %get3A_887 = arith.index_cast %get3A_886 : i32 to index
    %get3A_888 = arith.constant 80 : index
    %get3A_889 = tpu.vector_load %arg5[%get3A_887, %get3A_888] {strides = array<i32>} : memref<8x128xi32, #tpu.memory_space<vmem>>, vector<1x16xi32>,
    %get3A_890 = vector.shape_cast %get3A_889 : vector<1x16xi32> to vector<16xi32>
    %add3A_891 = arith.addi %get3A_890, %get3A_890 : vector<16xi32>
    %lt3A_892 = arith.constant 50048 : i32
    %lt3A_893 = vector.broadcast %lt3A_892 : i32 to vector<16xi32>
    %lt3A_894 = arith.cmpi slt, %get3A_890, %lt3A_893 : vector<16xi32>
    %sub3A_895 = arith.constant 100095 : i32
    %sub3A_896 = vector.broadcast %sub3A_895 : i32 to vector<16xi32>
    %sub3A_897 = arith.subi %add3A_891, %sub3A_896 : vector<16xi32>
    %select_n3A_898 = arith.select %lt3A_894, %add3A_891, %sub3A_897 : vector<16xi1>, vector<16xi32>
    %swap3A_899 = arith.constant 5 : i32
    %swap3A_900 = arith.index_cast %swap3A_899 : i32 to index
    %swap3A_901 = arith.constant 80 : index
    %swap3A_902 = tpu.vector_load %arg6[%swap3A_900, %swap3A_901] {strides = array<i32>} : memref<8x128xi32, #tpu.memory_space<vmem>>, vector<1x16xi32>,
    %swap3A_903 = vector.shape_cast %swap3A_902 : vector<1x16xi32> to vector<16xi32>
    %swap3A_904 = vector.shape_cast %select_n3A_898 : vector<16xi32> to vector<1x16xi32>
    tpu.vector_store %arg6[%swap3A_900, %swap3A_901], %swap3A_904 {strides = array<i32>} : memref<8x128xi32, #tpu.memory_space<vmem>>, vector<1x16xi32>,
    %get3A_905 = arith.constant 5 : i32
    %get3A_906 = arith.index_cast %get3A_905 : i32 to index
    %get3A_907 = arith.constant 96 : index
    %get3A_908 = tpu.vector_load %arg5[%get3A_906, %get3A_907] {strides = array<i32>} : memref<8x128xi32, #tpu.memory_space<vmem>>, vector<1x16xi32>,
    %get3A_909 = vector.shape_cast %get3A_908 : vector<1x16xi32> to vector<16xi32>
    %add3A_910 = arith.addi %get3A_909, %get3A_909 : vector<16xi32>
    %lt3A_911 = arith.constant 50048 : i32
    %lt3A_912 = vector.broadcast %lt3A_911 : i32 to vector<16xi32>
    %lt3A_913 = arith.cmpi slt, %get3A_909, %lt3A_912 : vector<16xi32>
    %sub3A_914 = arith.constant 100095 : i32
    %sub3A_915 = vector.broadcast %sub3A_914 : i32 to vector<16xi32>
    %sub3A_916 = arith.subi %add3A_910, %sub3A_915 : vector<16xi32>
    %select_n3A_917 = arith.select %lt3A_913, %add3A_910, %sub3A_916 : vector<16xi1>, vector<16xi32>
    %swap3A_918 = arith.constant 5 : i32
    %swap3A_919 = arith.index_cast %swap3A_918 : i32 to index
    %swap3A_920 = arith.constant 96 : index
    %swap3A_921 = tpu.vector_load %arg6[%swap3A_919, %swap3A_920] {strides = array<i32>} : memref<8x128xi32, #tpu.memory_space<vmem>>, vector<1x16xi32>,
    %swap3A_922 = vector.shape_cast %swap3A_921 : vector<1x16xi32> to vector<16xi32>
    %swap3A_923 = vector.shape_cast %select_n3A_917 : vector<16xi32> to vector<1x16xi32>
    tpu.vector_store %arg6[%swap3A_919, %swap3A_920], %swap3A_923 {strides = array<i32>} : memref<8x128xi32, #tpu.memory_space<vmem>>, vector<1x16xi32>,
    %get3A_924 = arith.constant 5 : i32
    %get3A_925 = arith.index_cast %get3A_924 : i32 to index
    %get3A_926 = arith.constant 112 : index
    %get3A_927 = tpu.vector_load %arg5[%get3A_925, %get3A_926] {strides = array<i32>} : memref<8x128xi32, #tpu.memory_space<vmem>>, vector<1x16xi32>,
    %get3A_928 = vector.shape_cast %get3A_927 : vector<1x16xi32> to vector<16xi32>
    %add3A_929 = arith.addi %get3A_928, %get3A_928 : vector<16xi32>
    %lt3A_930 = arith.constant 50048 : i32
    %lt3A_931 = vector.broadcast %lt3A_930 : i32 to vector<16xi32>
    %lt3A_932 = arith.cmpi slt, %get3A_928, %lt3A_931 : vector<16xi32>
    %sub3A_933 = arith.constant 100095 : i32
    %sub3A_934 = vector.broadcast %sub3A_933 : i32 to vector<16xi32>
    %sub3A_935 = arith.subi %add3A_929, %sub3A_934 : vector<16xi32>
    %select_n3A_936 = arith.select %lt3A_932, %add3A_929, %sub3A_935 : vector<16xi1>, vector<16xi32>
    %swap3A_937 = arith.constant 5 : i32
    %swap3A_938 = arith.index_cast %swap3A_937 : i32 to index
    %swap3A_939 = arith.constant 112 : index
    %swap3A_940 = tpu.vector_load %arg6[%swap3A_938, %swap3A_939] {strides = array<i32>} : memref<8x128xi32, #tpu.memory_space<vmem>>, vector<1x16xi32>,
    %swap3A_941 = vector.shape_cast %swap3A_940 : vector<1x16xi32> to vector<16xi32>
    %swap3A_942 = vector.shape_cast %select_n3A_936 : vector<16xi32> to vector<1x16xi32>
    tpu.vector_store %arg6[%swap3A_938, %swap3A_939], %swap3A_942 {strides = array<i32>} : memref<8x128xi32, #tpu.memory_space<vmem>>, vector<1x16xi32>,
    %get3A_943 = arith.constant 6 : i32
    %get3A_944 = arith.index_cast %get3A_943 : i32 to index
    %get3A_945 = arith.constant 0 : index
    %get3A_946 = tpu.vector_load %arg5[%get3A_944, %get3A_945] {strides = array<i32>} : memref<8x128xi32, #tpu.memory_space<vmem>>, vector<1x16xi32>,
    %get3A_947 = vector.shape_cast %get3A_946 : vector<1x16xi32> to vector<16xi32>
    %add3A_948 = arith.addi %get3A_947, %get3A_947 : vector<16xi32>
    %lt3A_949 = arith.constant 50048 : i32
    %lt3A_950 = vector.broadcast %lt3A_949 : i32 to vector<16xi32>
    %lt3A_951 = arith.cmpi slt, %get3A_947, %lt3A_950 : vector<16xi32>
    %sub3A_952 = arith.constant 100095 : i32
    %sub3A_953 = vector.broadcast %sub3A_952 : i32 to vector<16xi32>
    %sub3A_954 = arith.subi %add3A_948, %sub3A_953 : vector<16xi32>
    %select_n3A_955 = arith.select %lt3A_951, %add3A_948, %sub3A_954 : vector<16xi1>, vector<16xi32>
    %swap3A_956 = arith.constant 6 : i32
    %swap3A_957 = arith.index_cast %swap3A_956 : i32 to index
    %swap3A_958 = arith.constant 0 : index
    %swap3A_959 = tpu.vector_load %arg6[%swap3A_957, %swap3A_958] {strides = array<i32>} : memref<8x128xi32, #tpu.memory_space<vmem>>, vector<1x16xi32>,
    %swap3A_960 = vector.shape_cast %swap3A_959 : vector<1x16xi32> to vector<16xi32>
    %swap3A_961 = vector.shape_cast %select_n3A_955 : vector<16xi32> to vector<1x16xi32>
    tpu.vector_store %arg6[%swap3A_957, %swap3A_958], %swap3A_961 {strides = array<i32>} : memref<8x128xi32, #tpu.memory_space<vmem>>, vector<1x16xi32>,
    %get3A_962 = arith.constant 6 : i32
    %get3A_963 = arith.index_cast %get3A_962 : i32 to index
    %get3A_964 = arith.constant 16 : index
    %get3A_965 = tpu.vector_load %arg5[%get3A_963, %get3A_964] {strides = array<i32>} : memref<8x128xi32, #tpu.memory_space<vmem>>, vector<1x16xi32>,
    %get3A_966 = vector.shape_cast %get3A_965 : vector<1x16xi32> to vector<16xi32>
    %add3A_967 = arith.addi %get3A_966, %get3A_966 : vector<16xi32>
    %lt3A_968 = arith.constant 50048 : i32
    %lt3A_969 = vector.broadcast %lt3A_968 : i32 to vector<16xi32>
    %lt3A_970 = arith.cmpi slt, %get3A_966, %lt3A_969 : vector<16xi32>
    %sub3A_971 = arith.constant 100095 : i32
    %sub3A_972 = vector.broadcast %sub3A_971 : i32 to vector<16xi32>
    %sub3A_973 = arith.subi %add3A_967, %sub3A_972 : vector<16xi32>
    %select_n3A_974 = arith.select %lt3A_970, %add3A_967, %sub3A_973 : vector<16xi1>, vector<16xi32>
    %swap3A_975 = arith.constant 6 : i32
    %swap3A_976 = arith.index_cast %swap3A_975 : i32 to index
    %swap3A_977 = arith.constant 16 : index
    %swap3A_978 = tpu.vector_load %arg6[%swap3A_976, %swap3A_977] {strides = array<i32>} : memref<8x128xi32, #tpu.memory_space<vmem>>, vector<1x16xi32>,
    %swap3A_979 = vector.shape_cast %swap3A_978 : vector<1x16xi32> to vector<16xi32>
    %swap3A_980 = vector.shape_cast %select_n3A_974 : vector<16xi32> to vector<1x16xi32>
    tpu.vector_store %arg6[%swap3A_976, %swap3A_977], %swap3A_980 {strides = array<i32>} : memref<8x128xi32, #tpu.memory_space<vmem>>, vector<1x16xi32>,
    %get3A_981 = arith.constant 6 : i32
    %get3A_982 = arith.index_cast %get3A_981 : i32 to index
    %get3A_983 = arith.constant 32 : index
    %get3A_984 = tpu.vector_load %arg5[%get3A_982, %get3A_983] {strides = array<i32>} : memref<8x128xi32, #tpu.memory_space<vmem>>, vector<1x16xi32>,
    %get3A_985 = vector.shape_cast %get3A_984 : vector<1x16xi32> to vector<16xi32>
    %add3A_986 = arith.addi %get3A_985, %get3A_985 : vector<16xi32>
    %lt3A_987 = arith.constant 50048 : i32
    %lt3A_988 = vector.broadcast %lt3A_987 : i32 to vector<16xi32>
    %lt3A_989 = arith.cmpi slt, %get3A_985, %lt3A_988 : vector<16xi32>
    %sub3A_990 = arith.constant 100095 : i32
    %sub3A_991 = vector.broadcast %sub3A_990 : i32 to vector<16xi32>
    %sub3A_992 = arith.subi %add3A_986, %sub3A_991 : vector<16xi32>
    %select_n3A_993 = arith.select %lt3A_989, %add3A_986, %sub3A_992 : vector<16xi1>, vector<16xi32>
    %swap3A_994 = arith.constant 6 : i32
    %swap3A_995 = arith.index_cast %swap3A_994 : i32 to index
    %swap3A_996 = arith.constant 32 : index
    %swap3A_997 = tpu.vector_load %arg6[%swap3A_995, %swap3A_996] {strides = array<i32>} : memref<8x128xi32, #tpu.memory_space<vmem>>, vector<1x16xi32>,
    %swap3A_998 = vector.shape_cast %swap3A_997 : vector<1x16xi32> to vector<16xi32>
    %swap3A_999 = vector.shape_cast %select_n3A_993 : vector<16xi32> to vector<1x16xi32>
    tpu.vector_store %arg6[%swap3A_995, %swap3A_996], %swap3A_999 {strides = array<i32>} : memref<8x128xi32, #tpu.memory_space<vmem>>, vector<1x16xi32>,
    %get3A_1000 = arith.constant 6 : i32
    %get3A_1001 = arith.index_cast %get3A_1000 : i32 to index
    %get3A_1002 = arith.constant 48 : index
    %get3A_1003 = tpu.vector_load %arg5[%get3A_1001, %get3A_1002] {strides = array<i32>} : memref<8x128xi32, #tpu.memory_space<vmem>>, vector<1x16xi32>,
    %get3A_1004 = vector.shape_cast %get3A_1003 : vector<1x16xi32> to vector<16xi32>
    %add3A_1005 = arith.addi %get3A_1004, %get3A_1004 : vector<16xi32>
    %lt3A_1006 = arith.constant 50048 : i32
    %lt3A_1007 = vector.broadcast %lt3A_1006 : i32 to vector<16xi32>
    %lt3A_1008 = arith.cmpi slt, %get3A_1004, %lt3A_1007 : vector<16xi32>
    %sub3A_1009 = arith.constant 100095 : i32
    %sub3A_1010 = vector.broadcast %sub3A_1009 : i32 to vector<16xi32>
    %sub3A_1011 = arith.subi %add3A_1005, %sub3A_1010 : vector<16xi32>
    %select_n3A_1012 = arith.select %lt3A_1008, %add3A_1005, %sub3A_1011 : vector<16xi1>, vector<16xi32>
    %swap3A_1013 = arith.constant 6 : i32
    %swap3A_1014 = arith.index_cast %swap3A_1013 : i32 to index
    %swap3A_1015 = arith.constant 48 : index
    %swap3A_1016 = tpu.vector_load %arg6[%swap3A_1014, %swap3A_1015] {strides = array<i32>} : memref<8x128xi32, #tpu.memory_space<vmem>>, vector<1x16xi32>,
    %swap3A_1017 = vector.shape_cast %swap3A_1016 : vector<1x16xi32> to vector<16xi32>
    %swap3A_1018 = vector.shape_cast %select_n3A_1012 : vector<16xi32> to vector<1x16xi32>
    tpu.vector_store %arg6[%swap3A_1014, %swap3A_1015], %swap3A_1018 {strides = array<i32>} : memref<8x128xi32, #tpu.memory_space<vmem>>, vector<1x16xi32>,
    %get3A_1019 = arith.constant 6 : i32
    %get3A_1020 = arith.index_cast %get3A_1019 : i32 to index
    %get3A_1021 = arith.constant 64 : index
    %get3A_1022 = tpu.vector_load %arg5[%get3A_1020, %get3A_1021] {strides = array<i32>} : memref<8x128xi32, #tpu.memory_space<vmem>>, vector<1x16xi32>,
    %get3A_1023 = vector.shape_cast %get3A_1022 : vector<1x16xi32> to vector<16xi32>
    %add3A_1024 = arith.addi %get3A_1023, %get3A_1023 : vector<16xi32>
    %lt3A_1025 = arith.constant 50048 : i32
    %lt3A_1026 = vector.broadcast %lt3A_1025 : i32 to vector<16xi32>
    %lt3A_1027 = arith.cmpi slt, %get3A_1023, %lt3A_1026 : vector<16xi32>
    %sub3A_1028 = arith.constant 100095 : i32
    %sub3A_1029 = vector.broadcast %sub3A_1028 : i32 to vector<16xi32>
    %sub3A_1030 = arith.subi %add3A_1024, %sub3A_1029 : vector<16xi32>
    %select_n3A_1031 = arith.select %lt3A_1027, %add3A_1024, %sub3A_1030 : vector<16xi1>, vector<16xi32>
    %swap3A_1032 = arith.constant 6 : i32
    %swap3A_1033 = arith.index_cast %swap3A_1032 : i32 to index
    %swap3A_1034 = arith.constant 64 : index
    %swap3A_1035 = tpu.vector_load %arg6[%swap3A_1033, %swap3A_1034] {strides = array<i32>} : memref<8x128xi32, #tpu.memory_space<vmem>>, vector<1x16xi32>,
    %swap3A_1036 = vector.shape_cast %swap3A_1035 : vector<1x16xi32> to vector<16xi32>
    %swap3A_1037 = vector.shape_cast %select_n3A_1031 : vector<16xi32> to vector<1x16xi32>
    tpu.vector_store %arg6[%swap3A_1033, %swap3A_1034], %swap3A_1037 {strides = array<i32>} : memref<8x128xi32, #tpu.memory_space<vmem>>, vector<1x16xi32>,
    %get3A_1038 = arith.constant 6 : i32
    %get3A_1039 = arith.index_cast %get3A_1038 : i32 to index
    %get3A_1040 = arith.constant 80 : index
    %get3A_1041 = tpu.vector_load %arg5[%get3A_1039, %get3A_1040] {strides = array<i32>} : memref<8x128xi32, #tpu.memory_space<vmem>>, vector<1x16xi32>,
    %get3A_1042 = vector.shape_cast %get3A_1041 : vector<1x16xi32> to vector<16xi32>
    %add3A_1043 = arith.addi %get3A_1042, %get3A_1042 : vector<16xi32>
    %lt3A_1044 = arith.constant 50048 : i32
    %lt3A_1045 = vector.broadcast %lt3A_1044 : i32 to vector<16xi32>
    %lt3A_1046 = arith.cmpi slt, %get3A_1042, %lt3A_1045 : vector<16xi32>
    %sub3A_1047 = arith.constant 100095 : i32
    %sub3A_1048 = vector.broadcast %sub3A_1047 : i32 to vector<16xi32>
    %sub3A_1049 = arith.subi %add3A_1043, %sub3A_1048 : vector<16xi32>
    %select_n3A_1050 = arith.select %lt3A_1046, %add3A_1043, %sub3A_1049 : vector<16xi1>, vector<16xi32>
    %swap3A_1051 = arith.constant 6 : i32
    %swap3A_1052 = arith.index_cast %swap3A_1051 : i32 to index
    %swap3A_1053 = arith.constant 80 : index
    %swap3A_1054 = tpu.vector_load %arg6[%swap3A_1052, %swap3A_1053] {strides = array<i32>} : memref<8x128xi32, #tpu.memory_space<vmem>>, vector<1x16xi32>,
    %swap3A_1055 = vector.shape_cast %swap3A_1054 : vector<1x16xi32> to vector<16xi32>
    %swap3A_1056 = vector.shape_cast %select_n3A_1050 : vector<16xi32> to vector<1x16xi32>
    tpu.vector_store %arg6[%swap3A_1052, %swap3A_1053], %swap3A_1056 {strides = array<i32>} : memref<8x128xi32, #tpu.memory_space<vmem>>, vector<1x16xi32>,
    %get3A_1057 = arith.constant 6 : i32
    %get3A_1058 = arith.index_cast %get3A_1057 : i32 to index
    %get3A_1059 = arith.constant 96 : index
    %get3A_1060 = tpu.vector_load %arg5[%get3A_1058, %get3A_1059] {strides = array<i32>} : memref<8x128xi32, #tpu.memory_space<vmem>>, vector<1x16xi32>,
    %get3A_1061 = vector.shape_cast %get3A_1060 : vector<1x16xi32> to vector<16xi32>
    %add3A_1062 = arith.addi %get3A_1061, %get3A_1061 : vector<16xi32>
    %lt3A_1063 = arith.constant 50048 : i32
    %lt3A_1064 = vector.broadcast %lt3A_1063 : i32 to vector<16xi32>
    %lt3A_1065 = arith.cmpi slt, %get3A_1061, %lt3A_1064 : vector<16xi32>
    %sub3A_1066 = arith.constant 100095 : i32
    %sub3A_1067 = vector.broadcast %sub3A_1066 : i32 to vector<16xi32>
    %sub3A_1068 = arith.subi %add3A_1062, %sub3A_1067 : vector<16xi32>
    %select_n3A_1069 = arith.select %lt3A_1065, %add3A_1062, %sub3A_1068 : vector<16xi1>, vector<16xi32>
    %swap3A_1070 = arith.constant 6 : i32
    %swap3A_1071 = arith.index_cast %swap3A_1070 : i32 to index
    %swap3A_1072 = arith.constant 96 : index
    %swap3A_1073 = tpu.vector_load %arg6[%swap3A_1071, %swap3A_1072] {strides = array<i32>} : memref<8x128xi32, #tpu.memory_space<vmem>>, vector<1x16xi32>,
    %swap3A_1074 = vector.shape_cast %swap3A_1073 : vector<1x16xi32> to vector<16xi32>
    %swap3A_1075 = vector.shape_cast %select_n3A_1069 : vector<16xi32> to vector<1x16xi32>
    tpu.vector_store %arg6[%swap3A_1071, %swap3A_1072], %swap3A_1075 {strides = array<i32>} : memref<8x128xi32, #tpu.memory_space<vmem>>, vector<1x16xi32>,
    %get3A_1076 = arith.constant 6 : i32
    %get3A_1077 = arith.index_cast %get3A_1076 : i32 to index
    %get3A_1078 = arith.constant 112 : index
    %get3A_1079 = tpu.vector_load %arg5[%get3A_1077, %get3A_1078] {strides = array<i32>} : memref<8x128xi32, #tpu.memory_space<vmem>>, vector<1x16xi32>,
    %get3A_1080 = vector.shape_cast %get3A_1079 : vector<1x16xi32> to vector<16xi32>
    %add3A_1081 = arith.addi %get3A_1080, %get3A_1080 : vector<16xi32>
    %lt3A_1082 = arith.constant 50048 : i32
    %lt3A_1083 = vector.broadcast %lt3A_1082 : i32 to vector<16xi32>
    %lt3A_1084 = arith.cmpi slt, %get3A_1080, %lt3A_1083 : vector<16xi32>
    %sub3A_1085 = arith.constant 100095 : i32
    %sub3A_1086 = vector.broadcast %sub3A_1085 : i32 to vector<16xi32>
    %sub3A_1087 = arith.subi %add3A_1081, %sub3A_1086 : vector<16xi32>
    %select_n3A_1088 = arith.select %lt3A_1084, %add3A_1081, %sub3A_1087 : vector<16xi1>, vector<16xi32>
    %swap3A_1089 = arith.constant 6 : i32
    %swap3A_1090 = arith.index_cast %swap3A_1089 : i32 to index
    %swap3A_1091 = arith.constant 112 : index
    %swap3A_1092 = tpu.vector_load %arg6[%swap3A_1090, %swap3A_1091] {strides = array<i32>} : memref<8x128xi32, #tpu.memory_space<vmem>>, vector<1x16xi32>,
    %swap3A_1093 = vector.shape_cast %swap3A_1092 : vector<1x16xi32> to vector<16xi32>
    %swap3A_1094 = vector.shape_cast %select_n3A_1088 : vector<16xi32> to vector<1x16xi32>
    tpu.vector_store %arg6[%swap3A_1090, %swap3A_1091], %swap3A_1094 {strides = array<i32>} : memref<8x128xi32, #tpu.memory_space<vmem>>, vector<1x16xi32>,
    %get3A_1095 = arith.constant 7 : i32
    %get3A_1096 = arith.index_cast %get3A_1095 : i32 to index
    %get3A_1097 = arith.constant 0 : index
    %get3A_1098 = tpu.vector_load %arg5[%get3A_1096, %get3A_1097] {strides = array<i32>} : memref<8x128xi32, #tpu.memory_space<vmem>>, vector<1x16xi32>,
    %get3A_1099 = vector.shape_cast %get3A_1098 : vector<1x16xi32> to vector<16xi32>
    %add3A_1100 = arith.addi %get3A_1099, %get3A_1099 : vector<16xi32>
    %lt3A_1101 = arith.constant 50048 : i32
    %lt3A_1102 = vector.broadcast %lt3A_1101 : i32 to vector<16xi32>
    %lt3A_1103 = arith.cmpi slt, %get3A_1099, %lt3A_1102 : vector<16xi32>
    %sub3A_1104 = arith.constant 100095 : i32
    %sub3A_1105 = vector.broadcast %sub3A_1104 : i32 to vector<16xi32>
    %sub3A_1106 = arith.subi %add3A_1100, %sub3A_1105 : vector<16xi32>
    %select_n3A_1107 = arith.select %lt3A_1103, %add3A_1100, %sub3A_1106 : vector<16xi1>, vector<16xi32>
    %swap3A_1108 = arith.constant 7 : i32
    %swap3A_1109 = arith.index_cast %swap3A_1108 : i32 to index
    %swap3A_1110 = arith.constant 0 : index
    %swap3A_1111 = tpu.vector_load %arg6[%swap3A_1109, %swap3A_1110] {strides = array<i32>} : memref<8x128xi32, #tpu.memory_space<vmem>>, vector<1x16xi32>,
    %swap3A_1112 = vector.shape_cast %swap3A_1111 : vector<1x16xi32> to vector<16xi32>
    %swap3A_1113 = vector.shape_cast %select_n3A_1107 : vector<16xi32> to vector<1x16xi32>
    tpu.vector_store %arg6[%swap3A_1109, %swap3A_1110], %swap3A_1113 {strides = array<i32>} : memref<8x128xi32, #tpu.memory_space<vmem>>, vector<1x16xi32>,
    %get3A_1114 = arith.constant 7 : i32
    %get3A_1115 = arith.index_cast %get3A_1114 : i32 to index
    %get3A_1116 = arith.constant 16 : index
    %get3A_1117 = tpu.vector_load %arg5[%get3A_1115, %get3A_1116] {strides = array<i32>} : memref<8x128xi32, #tpu.memory_space<vmem>>, vector<1x16xi32>,
    %get3A_1118 = vector.shape_cast %get3A_1117 : vector<1x16xi32> to vector<16xi32>
    %add3A_1119 = arith.addi %get3A_1118, %get3A_1118 : vector<16xi32>
    %lt3A_1120 = arith.constant 50048 : i32
    %lt3A_1121 = vector.broadcast %lt3A_1120 : i32 to vector<16xi32>
    %lt3A_1122 = arith.cmpi slt, %get3A_1118, %lt3A_1121 : vector<16xi32>
    %sub3A_1123 = arith.constant 100095 : i32
    %sub3A_1124 = vector.broadcast %sub3A_1123 : i32 to vector<16xi32>
    %sub3A_1125 = arith.subi %add3A_1119, %sub3A_1124 : vector<16xi32>
    %select_n3A_1126 = arith.select %lt3A_1122, %add3A_1119, %sub3A_1125 : vector<16xi1>, vector<16xi32>
    %swap3A_1127 = arith.constant 7 : i32
    %swap3A_1128 = arith.index_cast %swap3A_1127 : i32 to index
    %swap3A_1129 = arith.constant 16 : index
    %swap3A_1130 = tpu.vector_load %arg6[%swap3A_1128, %swap3A_1129] {strides = array<i32>} : memref<8x128xi32, #tpu.memory_space<vmem>>, vector<1x16xi32>,
    %swap3A_1131 = vector.shape_cast %swap3A_1130 : vector<1x16xi32> to vector<16xi32>
    %swap3A_1132 = vector.shape_cast %select_n3A_1126 : vector<16xi32> to vector<1x16xi32>
    tpu.vector_store %arg6[%swap3A_1128, %swap3A_1129], %swap3A_1132 {strides = array<i32>} : memref<8x128xi32, #tpu.memory_space<vmem>>, vector<1x16xi32>,
    %get3A_1133 = arith.constant 7 : i32
    %get3A_1134 = arith.index_cast %get3A_1133 : i32 to index
    %get3A_1135 = arith.constant 32 : index
    %get3A_1136 = tpu.vector_load %arg5[%get3A_1134, %get3A_1135] {strides = array<i32>} : memref<8x128xi32, #tpu.memory_space<vmem>>, vector<1x16xi32>,
    %get3A_1137 = vector.shape_cast %get3A_1136 : vector<1x16xi32> to vector<16xi32>
    %add3A_1138 = arith.addi %get3A_1137, %get3A_1137 : vector<16xi32>
    %lt3A_1139 = arith.constant 50048 : i32
    %lt3A_1140 = vector.broadcast %lt3A_1139 : i32 to vector<16xi32>
    %lt3A_1141 = arith.cmpi slt, %get3A_1137, %lt3A_1140 : vector<16xi32>
    %sub3A_1142 = arith.constant 100095 : i32
    %sub3A_1143 = vector.broadcast %sub3A_1142 : i32 to vector<16xi32>
    %sub3A_1144 = arith.subi %add3A_1138, %sub3A_1143 : vector<16xi32>
    %select_n3A_1145 = arith.select %lt3A_1141, %add3A_1138, %sub3A_1144 : vector<16xi1>, vector<16xi32>
    %swap3A_1146 = arith.constant 7 : i32
    %swap3A_1147 = arith.index_cast %swap3A_1146 : i32 to index
    %swap3A_1148 = arith.constant 32 : index
    %swap3A_1149 = tpu.vector_load %arg6[%swap3A_1147, %swap3A_1148] {strides = array<i32>} : memref<8x128xi32, #tpu.memory_space<vmem>>, vector<1x16xi32>,
    %swap3A_1150 = vector.shape_cast %swap3A_1149 : vector<1x16xi32> to vector<16xi32>
    %swap3A_1151 = vector.shape_cast %select_n3A_1145 : vector<16xi32> to vector<1x16xi32>
    tpu.vector_store %arg6[%swap3A_1147, %swap3A_1148], %swap3A_1151 {strides = array<i32>} : memref<8x128xi32, #tpu.memory_space<vmem>>, vector<1x16xi32>,
    %get3A_1152 = arith.constant 7 : i32
    %get3A_1153 = arith.index_cast %get3A_1152 : i32 to index
    %get3A_1154 = arith.constant 48 : index
    %get3A_1155 = tpu.vector_load %arg5[%get3A_1153, %get3A_1154] {strides = array<i32>} : memref<8x128xi32, #tpu.memory_space<vmem>>, vector<1x16xi32>,
    %get3A_1156 = vector.shape_cast %get3A_1155 : vector<1x16xi32> to vector<16xi32>
    %add3A_1157 = arith.addi %get3A_1156, %get3A_1156 : vector<16xi32>
    %lt3A_1158 = arith.constant 50048 : i32
    %lt3A_1159 = vector.broadcast %lt3A_1158 : i32 to vector<16xi32>
    %lt3A_1160 = arith.cmpi slt, %get3A_1156, %lt3A_1159 : vector<16xi32>
    %sub3A_1161 = arith.constant 100095 : i32
    %sub3A_1162 = vector.broadcast %sub3A_1161 : i32 to vector<16xi32>
    %sub3A_1163 = arith.subi %add3A_1157, %sub3A_1162 : vector<16xi32>
    %select_n3A_1164 = arith.select %lt3A_1160, %add3A_1157, %sub3A_1163 : vector<16xi1>, vector<16xi32>
    %swap3A_1165 = arith.constant 7 : i32
    %swap3A_1166 = arith.index_cast %swap3A_1165 : i32 to index
    %swap3A_1167 = arith.constant 48 : index
    %swap3A_1168 = tpu.vector_load %arg6[%swap3A_1166, %swap3A_1167] {strides = array<i32>} : memref<8x128xi32, #tpu.memory_space<vmem>>, vector<1x16xi32>,
    %swap3A_1169 = vector.shape_cast %swap3A_1168 : vector<1x16xi32> to vector<16xi32>
    %swap3A_1170 = vector.shape_cast %select_n3A_1164 : vector<16xi32> to vector<1x16xi32>
    tpu.vector_store %arg6[%swap3A_1166, %swap3A_1167], %swap3A_1170 {strides = array<i32>} : memref<8x128xi32, #tpu.memory_space<vmem>>, vector<1x16xi32>,
    %get3A_1171 = arith.constant 7 : i32
    %get3A_1172 = arith.index_cast %get3A_1171 : i32 to index
    %get3A_1173 = arith.constant 64 : index
    %get3A_1174 = tpu.vector_load %arg5[%get3A_1172, %get3A_1173] {strides = array<i32>} : memref<8x128xi32, #tpu.memory_space<vmem>>, vector<1x16xi32>,
    %get3A_1175 = vector.shape_cast %get3A_1174 : vector<1x16xi32> to vector<16xi32>
    %add3A_1176 = arith.addi %get3A_1175, %get3A_1175 : vector<16xi32>
    %lt3A_1177 = arith.constant 50048 : i32
    %lt3A_1178 = vector.broadcast %lt3A_1177 : i32 to vector<16xi32>
    %lt3A_1179 = arith.cmpi slt, %get3A_1175, %lt3A_1178 : vector<16xi32>
    %sub3A_1180 = arith.constant 100095 : i32
    %sub3A_1181 = vector.broadcast %sub3A_1180 : i32 to vector<16xi32>
    %sub3A_1182 = arith.subi %add3A_1176, %sub3A_1181 : vector<16xi32>
    %select_n3A_1183 = arith.select %lt3A_1179, %add3A_1176, %sub3A_1182 : vector<16xi1>, vector<16xi32>
    %swap3A_1184 = arith.constant 7 : i32
    %swap3A_1185 = arith.index_cast %swap3A_1184 : i32 to index
    %swap3A_1186 = arith.constant 64 : index
    %swap3A_1187 = tpu.vector_load %arg6[%swap3A_1185, %swap3A_1186] {strides = array<i32>} : memref<8x128xi32, #tpu.memory_space<vmem>>, vector<1x16xi32>,
    %swap3A_1188 = vector.shape_cast %swap3A_1187 : vector<1x16xi32> to vector<16xi32>
    %swap3A_1189 = vector.shape_cast %select_n3A_1183 : vector<16xi32> to vector<1x16xi32>
    tpu.vector_store %arg6[%swap3A_1185, %swap3A_1186], %swap3A_1189 {strides = array<i32>} : memref<8x128xi32, #tpu.memory_space<vmem>>, vector<1x16xi32>,
    %get3A_1190 = arith.constant 7 : i32
    %get3A_1191 = arith.index_cast %get3A_1190 : i32 to index
    %get3A_1192 = arith.constant 80 : index
    %get3A_1193 = tpu.vector_load %arg5[%get3A_1191, %get3A_1192] {strides = array<i32>} : memref<8x128xi32, #tpu.memory_space<vmem>>, vector<1x16xi32>,
    %get3A_1194 = vector.shape_cast %get3A_1193 : vector<1x16xi32> to vector<16xi32>
    %add3A_1195 = arith.addi %get3A_1194, %get3A_1194 : vector<16xi32>
    %lt3A_1196 = arith.constant 50048 : i32
    %lt3A_1197 = vector.broadcast %lt3A_1196 : i32 to vector<16xi32>
    %lt3A_1198 = arith.cmpi slt, %get3A_1194, %lt3A_1197 : vector<16xi32>
    %sub3A_1199 = arith.constant 100095 : i32
    %sub3A_1200 = vector.broadcast %sub3A_1199 : i32 to vector<16xi32>
    %sub3A_1201 = arith.subi %add3A_1195, %sub3A_1200 : vector<16xi32>
    %select_n3A_1202 = arith.select %lt3A_1198, %add3A_1195, %sub3A_1201 : vector<16xi1>, vector<16xi32>
    %swap3A_1203 = arith.constant 7 : i32
    %swap3A_1204 = arith.index_cast %swap3A_1203 : i32 to index
    %swap3A_1205 = arith.constant 80 : index
    %swap3A_1206 = tpu.vector_load %arg6[%swap3A_1204, %swap3A_1205] {strides = array<i32>} : memref<8x128xi32, #tpu.memory_space<vmem>>, vector<1x16xi32>,
    %swap3A_1207 = vector.shape_cast %swap3A_1206 : vector<1x16xi32> to vector<16xi32>
    %swap3A_1208 = vector.shape_cast %select_n3A_1202 : vector<16xi32> to vector<1x16xi32>
    tpu.vector_store %arg6[%swap3A_1204, %swap3A_1205], %swap3A_1208 {strides = array<i32>} : memref<8x128xi32, #tpu.memory_space<vmem>>, vector<1x16xi32>,
    %get3A_1209 = arith.constant 7 : i32
    %get3A_1210 = arith.index_cast %get3A_1209 : i32 to index
    %get3A_1211 = arith.constant 96 : index
    %get3A_1212 = tpu.vector_load %arg5[%get3A_1210, %get3A_1211] {strides = array<i32>} : memref<8x128xi32, #tpu.memory_space<vmem>>, vector<1x16xi32>,
    %get3A_1213 = vector.shape_cast %get3A_1212 : vector<1x16xi32> to vector<16xi32>
    %add3A_1214 = arith.addi %get3A_1213, %get3A_1213 : vector<16xi32>
    %lt3A_1215 = arith.constant 50048 : i32
    %lt3A_1216 = vector.broadcast %lt3A_1215 : i32 to vector<16xi32>
    %lt3A_1217 = arith.cmpi slt, %get3A_1213, %lt3A_1216 : vector<16xi32>
    %sub3A_1218 = arith.constant 100095 : i32
    %sub3A_1219 = vector.broadcast %sub3A_1218 : i32 to vector<16xi32>
    %sub3A_1220 = arith.subi %add3A_1214, %sub3A_1219 : vector<16xi32>
    %select_n3A_1221 = arith.select %lt3A_1217, %add3A_1214, %sub3A_1220 : vector<16xi1>, vector<16xi32>
    %swap3A_1222 = arith.constant 7 : i32
    %swap3A_1223 = arith.index_cast %swap3A_1222 : i32 to index
    %swap3A_1224 = arith.constant 96 : index
    %swap3A_1225 = tpu.vector_load %arg6[%swap3A_1223, %swap3A_1224] {strides = array<i32>} : memref<8x128xi32, #tpu.memory_space<vmem>>, vector<1x16xi32>,
    %swap3A_1226 = vector.shape_cast %swap3A_1225 : vector<1x16xi32> to vector<16xi32>
    %swap3A_1227 = vector.shape_cast %select_n3A_1221 : vector<16xi32> to vector<1x16xi32>
    tpu.vector_store %arg6[%swap3A_1223, %swap3A_1224], %swap3A_1227 {strides = array<i32>} : memref<8x128xi32, #tpu.memory_space<vmem>>, vector<1x16xi32>,
    %get3A_1228 = arith.constant 7 : i32
    %get3A_1229 = arith.index_cast %get3A_1228 : i32 to index
    %get3A_1230 = arith.constant 112 : index
    %get3A_1231 = tpu.vector_load %arg5[%get3A_1229, %get3A_1230] {strides = array<i32>} : memref<8x128xi32, #tpu.memory_space<vmem>>, vector<1x16xi32>,
    %get3A_1232 = vector.shape_cast %get3A_1231 : vector<1x16xi32> to vector<16xi32>
    %add3A_1233 = arith.addi %get3A_1232, %get3A_1232 : vector<16xi32>
    %lt3A_1234 = arith.constant 50048 : i32
    %lt3A_1235 = vector.broadcast %lt3A_1234 : i32 to vector<16xi32>
    %lt3A_1236 = arith.cmpi slt, %get3A_1232, %lt3A_1235 : vector<16xi32>
    %sub3A_1237 = arith.constant 100095 : i32
    %sub3A_1238 = vector.broadcast %sub3A_1237 : i32 to vector<16xi32>
    %sub3A_1239 = arith.subi %add3A_1233, %sub3A_1238 : vector<16xi32>
    %select_n3A_1240 = arith.select %lt3A_1236, %add3A_1233, %sub3A_1239 : vector<16xi1>, vector<16xi32>
    %swap3A_1241 = arith.constant 7 : i32
    %swap3A_1242 = arith.index_cast %swap3A_1241 : i32 to index
    %swap3A_1243 = arith.constant 112 : index
    %swap3A_1244 = tpu.vector_load %arg6[%swap3A_1242, %swap3A_1243] {strides = array<i32>} : memref<8x128xi32, #tpu.memory_space<vmem>>, vector<1x16xi32>,
    %swap3A_1245 = vector.shape_cast %swap3A_1244 : vector<1x16xi32> to vector<16xi32>
    %swap3A_1246 = vector.shape_cast %select_n3A_1240 : vector<16xi32> to vector<1x16xi32>
    tpu.vector_store %arg6[%swap3A_1242, %swap3A_1243], %swap3A_1246 {strides = array<i32>} : memref<8x128xi32, #tpu.memory_space<vmem>>, vector<1x16xi32>,
    %dma_start3A = arith.constant 0 : i32
    %dma_start3A_1247 = arith.constant 0 : i32
    %dma_start3A_1248 = arith.constant 0 : i32
    %dma_start3A_1249 = arith.constant 0 : i32
    %dma_start3A_1250 = tpu.memref_slice %arg7[%dma_start3A_1247, %dma_start3A_1248, %dma_start3A_1249] : memref<4x128x64xf32, #tpu.memory_space<vmem>> -> memref<1x128x64xf32, #tpu.memory_space<vmem>>
    %dma_start3A_1251 = tpu.memref_squeeze %dma_start3A_1250 : memref<1x128x64xf32, #tpu.memory_space<vmem>> -> memref<128x64xf32, #tpu.memory_space<vmem>>
    %dma_start3A_1252 = arith.constant 0 : i32
    %dma_start3A_1253 = tpu.memref_slice %arg6[%dma_start3A, %dma_start3A_1252] : memref<8x128xi32, #tpu.memory_space<vmem>> -> memref<1x128xi32, #tpu.memory_space<vmem>>
    %dma_start3A_1254 = tpu.memref_squeeze %dma_start3A_1253 : memref<1x128xi32, #tpu.memory_space<vmem>> -> memref<128xi32, #tpu.memory_space<vmem>>
    %dma_start3A_1255 = arith.constant 0 : i32
    %dma_start3A_1256 = arith.constant 0 : i32
    %dma_start3A_1257 = tpu.memref_slice %arg3[%dma_start3A_1255, %dma_start3A_1256] : memref<100096x64xf32, #tpu.memory_space<hbm>> -> memref<100096x64xf32, #tpu.memory_space<hbm>>
    tpu.enqueue_indirect_dma source(%dma_start3A_1257 : memref<100096x64xf32, #tpu.memory_space<hbm>>) target(%dma_start3A_1251 : memref<128x64xf32, #tpu.memory_space<vmem>>) offsets(%dma_start3A_1254 : memref<128xi32, #tpu.memory_space<vmem>>) semaphore(%arg8 : memref<!tpu.dma_semaphore, #tpu.memory_space<semaphore_mem>>)
    %scan3A = arith.constant 0 : i32
    %scan3A_1258 = arith.constant 8 : i32
    %scan3A_1259 = arith.addi %scan3A, %scan3A_1258 : i32
    %scan3A_1260 = arith.constant 1 : i32
    scf.for %scan3A_1301 = %scan3A to %scan3A_1259 step %scan3A_1260  : i32 {
      %mul3A_1302 = arith.constant 1 : i32
      %mul3A_1303 = arith.muli %scan3A_1301, %mul3A_1302 : i32
      %add3A_1304 = arith.constant 0 : i32
      %add3A_1305 = arith.addi %add3A_1304, %mul3A_1303 : i32
      %rem3A_1306 = arith.constant 4 : i32
      %rem3A_1307 = arith.remsi %add3A_1305, %rem3A_1306 : i32
      %lt3A_1308 = arith.constant 7 : i32
      %lt3A_1309 = arith.cmpi slt, %add3A_1305, %lt3A_1308 : i32
      %convert_element_type3A = arith.extui %lt3A_1309 : i1 to i32
      %cond3A = arith.constant 0 : i32
      %cond3A_1310 = arith.cmpi ne, %convert_element_type3A, %cond3A : i32
      scf.if %cond3A_1310 {
        %add3A_1343 = arith.constant 1 : i32
        %add3A_1344 = arith.addi %add3A_1305, %add3A_1343 : i32
        %add3A_1345 = arith.constant 1 : i32
        %add3A_1346 = arith.addi %add3A_1305, %add3A_1345 : i32
        %rem3A_1347 = arith.constant 4 : i32
        %rem3A_1348 = arith.remsi %add3A_1346, %rem3A_1347 : i32
        %dma_start3A_1349 = arith.constant 0 : i32
        %dma_start3A_1350 = arith.constant 0 : i32
        %dma_start3A_1351 = tpu.memref_slice %arg7[%rem3A_1348, %dma_start3A_1349, %dma_start3A_1350] : memref<4x128x64xf32, #tpu.memory_space<vmem>> -> memref<1x128x64xf32, #tpu.memory_space<vmem>>
        %dma_start3A_1352 = tpu.memref_squeeze %dma_start3A_1351 : memref<1x128x64xf32, #tpu.memory_space<vmem>> -> memref<128x64xf32, #tpu.memory_space<vmem>>
        %dma_start3A_1353 = arith.constant 0 : i32
        %dma_start3A_1354 = tpu.memref_slice %arg6[%add3A_1344, %dma_start3A_1353] : memref<8x128xi32, #tpu.memory_space<vmem>> -> memref<1x128xi32, #tpu.memory_space<vmem>>
        %dma_start3A_1355 = tpu.memref_squeeze %dma_start3A_1354 : memref<1x128xi32, #tpu.memory_space<vmem>> -> memref<128xi32, #tpu.memory_space<vmem>>
        %dma_start3A_1356 = arith.constant 0 : i32
        %dma_start3A_1357 = arith.constant 0 : i32
        %dma_start3A_1358 = tpu.memref_slice %arg3[%dma_start3A_1356, %dma_start3A_1357] : memref<100096x64xf32, #tpu.memory_space<hbm>> -> memref<100096x64xf32, #tpu.memory_space<hbm>>
        tpu.enqueue_indirect_dma source(%dma_start3A_1358 : memref<100096x64xf32, #tpu.memory_space<hbm>>) target(%dma_start3A_1352 : memref<128x64xf32, #tpu.memory_space<vmem>>) offsets(%dma_start3A_1355 : memref<128xi32, #tpu.memory_space<vmem>>) semaphore(%arg8 : memref<!tpu.dma_semaphore, #tpu.memory_space<semaphore_mem>>)
      } else {
      }
      %dma_wait3A_1311 = arith.constant 0 : i32
      %dma_wait3A_1312 = arith.constant 0 : i32
      %dma_wait3A_1313 = tpu.memref_slice %arg7[%rem3A_1307, %dma_wait3A_1311, %dma_wait3A_1312] : memref<4x128x64xf32, #tpu.memory_space<vmem>> -> memref<1x128x64xf32, #tpu.memory_space<vmem>>
      %dma_wait3A_1314 = tpu.memref_squeeze %dma_wait3A_1313 : memref<1x128x64xf32, #tpu.memory_space<vmem>> -> memref<128x64xf32, #tpu.memory_space<vmem>>
      %dma_wait3A_1315 = arith.constant 0 : i32
      %dma_wait3A_1316 = tpu.memref_slice %arg6[%add3A_1305, %dma_wait3A_1315] : memref<8x128xi32, #tpu.memory_space<vmem>> -> memref<1x128xi32, #tpu.memory_space<vmem>>
      %dma_wait3A_1317 = tpu.memref_squeeze %dma_wait3A_1316 : memref<1x128xi32, #tpu.memory_space<vmem>> -> memref<128xi32, #tpu.memory_space<vmem>>
      %dma_wait3A_1318 = arith.constant 0 : i32
      %dma_wait3A_1319 = arith.constant 0 : i32
      %dma_wait3A_1320 = tpu.memref_slice %arg3[%dma_wait3A_1318, %dma_wait3A_1319] : memref<100096x64xf32, #tpu.memory_space<hbm>> -> memref<100096x64xf32, #tpu.memory_space<hbm>>
      tpu.wait_indirect_dma semaphore(%arg8 : memref<!tpu.dma_semaphore, #tpu.memory_space<semaphore_mem>>) src(%dma_wait3A_1320 : memref<100096x64xf32, #tpu.memory_space<hbm>>) dst(%dma_wait3A_1314 : memref<128x64xf32, #tpu.memory_space<vmem>>)
      %mul3A_1321 = arith.constant 8 : i32
      %mul3A_1322 = arith.muli %select_n3A_30, %mul3A_1321 : i32
      %add3A_1323 = arith.addi %mul3A_1322, %add3A_1305 : i32
      %mul3A_1324 = arith.constant 2048 : i32
      %mul3A_1325 = arith.muli %add3A_1323, %mul3A_1324 : i32
      %add3A_1326 = arith.addi %mul3A_1325, %mul3A_32 : i32
      %dma_start3A_1327 = arith.constant 0 : i32
      %dma_start3A_1328 = arith.constant 0 : i32
      %dma_start3A_1329 = tpu.memref_slice %arg7[%rem3A_1307, %dma_start3A_1327, %dma_start3A_1328] : memref<4x128x64xf32, #tpu.memory_space<vmem>> -> memref<1x128x64xf32, #tpu.memory_space<vmem>>
      %dma_start3A_1330 = tpu.memref_squeeze %dma_start3A_1329 : memref<1x128x64xf32, #tpu.memory_space<vmem>> -> memref<128x64xf32, #tpu.memory_space<vmem>>
      %dma_start3A_1331 = arith.constant 0 : i32
      %dma_start3A_1332 = tpu.memref_slice %arg4[%add3A_1326, %dma_start3A_1331] : memref<32768x128xf32, #tpu.memory_space<hbm>> -> memref<128x64xf32, #tpu.memory_space<hbm>>
      %dma_start3A_1333 = arith.constant 0 : i32
      %dma_start3A_1334 = tpu.memref_slice %arg4[%add3A_1326, %dma_start3A_1333] : memref<32768x128xf32, #tpu.memory_space<hbm>> -> memref<128x64xf32, #tpu.memory_space<hbm>>
      %dma_start3A_1335 = arith.constant 0 : i32
      %dma_start3A_1336 = arith.constant 0 : i32
      %dma_start3A_1337 = tpu.memref_slice %arg7[%rem3A_1307, %dma_start3A_1335, %dma_start3A_1336] : memref<4x128x64xf32, #tpu.memory_space<vmem>> -> memref<1x128x64xf32, #tpu.memory_space<vmem>>
      %dma_start3A_1338 = tpu.memref_squeeze %dma_start3A_1337 : memref<1x128x64xf32, #tpu.memory_space<vmem>> -> memref<128x64xf32, #tpu.memory_space<vmem>>
      tpu.enqueue_dma source(%dma_start3A_1338 : memref<128x64xf32, #tpu.memory_space<vmem>>) target(%dma_start3A_1334 : memref<128x64xf32, #tpu.memory_space<hbm>>) target_semaphore(%arg9 : memref<!tpu.dma_semaphore, #tpu.memory_space<semaphore_mem>>)
      %ge3A = arith.constant 2 : i32
      %ge3A_1339 = arith.cmpi sge, %add3A_1305, %ge3A : i32
      %convert_element_type3A_1340 = arith.extui %ge3A_1339 : i1 to i32
      %cond3A_1341 = arith.constant 0 : i32
      %cond3A_1342 = arith.cmpi ne, %convert_element_type3A_1340, %cond3A_1341 : i32
      scf.if %cond3A_1342 {
        %mul3A_1343 = arith.constant 8 : i32
        %mul3A_1344 = arith.muli %select_n3A_30, %mul3A_1343 : i32
        %add3A_1345 = arith.constant 0 : i32
        %add3A_1346 = arith.addi %mul3A_1344, %add3A_1345 : i32
        %mul3A_1347 = arith.constant 2048 : i32
        %mul3A_1348 = arith.muli %add3A_1346, %mul3A_1347 : i32
        %add3A_1349 = arith.addi %mul3A_1348, %mul3A_32 : i32
        %dma_wait3A_1350 = arith.constant 0 : i32
        %dma_wait3A_1351 = arith.constant 0 : i32
        %dma_wait3A_1352 = arith.constant 0 : i32
        %dma_wait3A_1353 = tpu.memref_slice %arg7[%dma_wait3A_1350, %dma_wait3A_1351, %dma_wait3A_1352] : memref<4x128x64xf32, #tpu.memory_space<vmem>> -> memref<1x128x64xf32, #tpu.memory_space<vmem>>
        %dma_wait3A_1354 = tpu.memref_squeeze %dma_wait3A_1353 : memref<1x128x64xf32, #tpu.memory_space<vmem>> -> memref<128x64xf32, #tpu.memory_space<vmem>>
        %dma_wait3A_1355 = arith.constant 0 : i32
        %dma_wait3A_1356 = tpu.memref_slice %arg4[%add3A_1349, %dma_wait3A_1355] : memref<32768x128xf32, #tpu.memory_space<hbm>> -> memref<128x64xf32, #tpu.memory_space<hbm>>
        %dma_wait3A_1357 = arith.constant 0 : i32
        %dma_wait3A_1358 = tpu.memref_slice %arg4[%add3A_1349, %dma_wait3A_1357] : memref<32768x128xf32, #tpu.memory_space<hbm>> -> memref<128x64xf32, #tpu.memory_space<hbm>>
        %dma_wait3A_1359 = arith.constant 0 : i32
        %dma_wait3A_1360 = arith.constant 0 : i32
        %dma_wait3A_1361 = tpu.memref_slice %arg7[%dma_wait3A_1350, %dma_wait3A_1359, %dma_wait3A_1360] : memref<4x128x64xf32, #tpu.memory_space<vmem>> -> memref<1x128x64xf32, #tpu.memory_space<vmem>>
        %dma_wait3A_1362 = tpu.memref_squeeze %dma_wait3A_1361 : memref<1x128x64xf32, #tpu.memory_space<vmem>> -> memref<128x64xf32, #tpu.memory_space<vmem>>
        tpu.wait_dma2 semaphore(%arg9 : memref<!tpu.dma_semaphore, #tpu.memory_space<semaphore_mem>>) src(%dma_wait3A_1362 : memref<128x64xf32, #tpu.memory_space<vmem>>) dst(%dma_wait3A_1358 : memref<128x64xf32, #tpu.memory_space<hbm>>)
      } else {
      }
    }
    %scan3A_1261 = arith.constant 8 : i32
    %mul3A_1262 = arith.constant 8 : i32
    %mul3A_1263 = arith.muli %select_n3A_30, %mul3A_1262 : i32
    %add3A_1264 = arith.constant 0 : i32
    %add3A_1265 = arith.addi %mul3A_1263, %add3A_1264 : i32
    %mul3A_1266 = arith.constant 2048 : i32
    %mul3A_1267 = arith.muli %add3A_1265, %mul3A_1266 : i32
    %add3A_1268 = arith.addi %mul3A_1267, %mul3A_32 : i32
    %dma_wait3A = arith.constant 0 : i32
    %dma_wait3A_1269 = arith.constant 0 : i32
    %dma_wait3A_1270 = arith.constant 0 : i32
    %dma_wait3A_1271 = tpu.memref_slice %arg7[%dma_wait3A, %dma_wait3A_1269, %dma_wait3A_1270] : memref<4x128x64xf32, #tpu.memory_space<vmem>> -> memref<1x128x64xf32, #tpu.memory_space<vmem>>
    %dma_wait3A_1272 = tpu.memref_squeeze %dma_wait3A_1271 : memref<1x128x64xf32, #tpu.memory_space<vmem>> -> memref<128x64xf32, #tpu.memory_space<vmem>>
    %dma_wait3A_1273 = arith.constant 0 : i32
    %dma_wait3A_1274 = tpu.memref_slice %arg4[%add3A_1268, %dma_wait3A_1273] : memref<32768x128xf32, #tpu.memory_space<hbm>> -> memref<128x64xf32, #tpu.memory_space<hbm>>
    %dma_wait3A_1275 = arith.constant 0 : i32
    %dma_wait3A_1276 = tpu.memref_slice %arg4[%add3A_1268, %dma_wait3A_1275] : memref<32768x128xf32, #tpu.memory_space<hbm>> -> memref<128x64xf32, #tpu.memory_space<hbm>>
    %dma_wait3A_1277 = arith.constant 0 : i32
    %dma_wait3A_1278 = arith.constant 0 : i32
    %dma_wait3A_1279 = tpu.memref_slice %arg7[%dma_wait3A, %dma_wait3A_1277, %dma_wait3A_1278] : memref<4x128x64xf32, #tpu.memory_space<vmem>> -> memref<1x128x64xf32, #tpu.memory_space<vmem>>
    %dma_wait3A_1280 = tpu.memref_squeeze %dma_wait3A_1279 : memref<1x128x64xf32, #tpu.memory_space<vmem>> -> memref<128x64xf32, #tpu.memory_space<vmem>>
    tpu.wait_dma2 semaphore(%arg9 : memref<!tpu.dma_semaphore, #tpu.memory_space<semaphore_mem>>) src(%dma_wait3A_1280 : memref<128x64xf32, #tpu.memory_space<vmem>>) dst(%dma_wait3A_1276 : memref<128x64xf32, #tpu.memory_space<hbm>>)
    %mul3A_1281 = arith.constant 8 : i32
    %mul3A_1282 = arith.muli %select_n3A_30, %mul3A_1281 : i32
    %add3A_1283 = arith.constant 0 : i32
    %add3A_1284 = arith.addi %mul3A_1282, %add3A_1283 : i32
    %mul3A_1285 = arith.constant 2048 : i32
    %mul3A_1286 = arith.muli %add3A_1284, %mul3A_1285 : i32
    %add3A_1287 = arith.addi %mul3A_1286, %mul3A_32 : i32
    %dma_wait3A_1288 = arith.constant 0 : i32
    %dma_wait3A_1289 = arith.constant 0 : i32
    %dma_wait3A_1290 = arith.constant 0 : i32
    %dma_wait3A_1291 = tpu.memref_slice %arg7[%dma_wait3A_1288, %dma_wait3A_1289, %dma_wait3A_1290] : memref<4x128x64xf32, #tpu.memory_space<vmem>> -> memref<1x128x64xf32, #tpu.memory_space<vmem>>
    %dma_wait3A_1292 = tpu.memref_squeeze %dma_wait3A_1291 : memref<1x128x64xf32, #tpu.memory_space<vmem>> -> memref<128x64xf32, #tpu.memory_space<vmem>>
    %dma_wait3A_1293 = arith.constant 0 : i32
    %dma_wait3A_1294 = tpu.memref_slice %arg4[%add3A_1287, %dma_wait3A_1293] : memref<32768x128xf32, #tpu.memory_space<hbm>> -> memref<128x64xf32, #tpu.memory_space<hbm>>
    %dma_wait3A_1295 = arith.constant 0 : i32
    %dma_wait3A_1296 = tpu.memref_slice %arg4[%add3A_1287, %dma_wait3A_1295] : memref<32768x128xf32, #tpu.memory_space<hbm>> -> memref<128x64xf32, #tpu.memory_space<hbm>>
    %dma_wait3A_1297 = arith.constant 0 : i32
    %dma_wait3A_1298 = arith.constant 0 : i32
    %dma_wait3A_1299 = tpu.memref_slice %arg7[%dma_wait3A_1288, %dma_wait3A_1297, %dma_wait3A_1298] : memref<4x128x64xf32, #tpu.memory_space<vmem>> -> memref<1x128x64xf32, #tpu.memory_space<vmem>>
    %dma_wait3A_1300 = tpu.memref_squeeze %dma_wait3A_1299 : memref<1x128x64xf32, #tpu.memory_space<vmem>> -> memref<128x64xf32, #tpu.memory_space<vmem>>
    tpu.wait_dma2 semaphore(%arg9 : memref<!tpu.dma_semaphore, #tpu.memory_space<semaphore_mem>>) src(%dma_wait3A_1300 : memref<128x64xf32, #tpu.memory_space<vmem>>) dst(%dma_wait3A_1296 : memref<128x64xf32, #tpu.memory_space<hbm>>)
    return
  }
}

module attributes {stable_mosaic.version = 14 : i64} {
  func.func @_finish_tc_kernel(%arg0: i32, %arg1: memref<2048x128xf32, #tpu.memory_space<vmem>>, %arg2: memref<64x2048xf32, #tpu.memory_space<vmem>>, %arg3: memref<1x64x2048xf32, #tpu.memory_space<vmem>>) attributes {dimension_semantics = [#tpu.dimension_semantics<arbitrary>], iteration_bounds = array<i64: 16>, scalar_prefetch = 0 : i64, scratch_operands = 0 : i64, tpu.core_type = #tpu.core_type<tc>, window_params = [{transform_indices = @transform_0, window_bounds = array<i64: 2048, 128>}, {pipeline_mode = #tpu.pipeline_mode<synchronous>, transform_indices = @transform_1, window_bounds = array<i64: 64, 2048>}, {transform_indices = @transform_2, window_bounds = array<i64: 1, 64, 2048>}]} {
    %get3A = arith.constant 0 : index
    %get3A_0 = arith.constant 0 : index
    %get3A_1 = vector.load %arg1[%get3A, %get3A_0] : memref<2048x128xf32, #tpu.memory_space<vmem>>, vector<2048x128xf32>
    %slice3A = vector.extract_strided_slice %get3A_1 {offsets = [0, 0], sizes = [2048, 64], strides = [1, 1]} : vector<2048x128xf32> to vector<2048x64xf32>
    %transpose3A = tpu.transpose %slice3A, [1, 0] : vector<2048x64xf32> -> vector<64x2048xf32>
    %get3A_2 = arith.constant 0 : index
    %get3A_3 = arith.constant 0 : index
    %get3A_4 = vector.load %arg2[%get3A_2, %get3A_3] : memref<64x2048xf32, #tpu.memory_space<vmem>>, vector<64x2048xf32>
    %add3A = arith.addf %transpose3A, %get3A_4 : vector<64x2048xf32>
    %swap3A = arith.constant 0 : index
    %swap3A_5 = arith.constant 0 : index
    %swap3A_6 = arith.constant 0 : index
    %swap3A_7 = vector.load %arg3[%swap3A, %swap3A_5, %swap3A_6] : memref<1x64x2048xf32, #tpu.memory_space<vmem>>, vector<1x64x2048xf32>
    %swap3A_8 = vector.shape_cast %swap3A_7 : vector<1x64x2048xf32> to vector<64x2048xf32>
    %swap3A_9 = vector.shape_cast %add3A : vector<64x2048xf32> to vector<1x64x2048xf32>
    tpu.vector_store %arg3[%swap3A, %swap3A_5, %swap3A_6], %swap3A_9 {strides = array<i32>} : memref<1x64x2048xf32, #tpu.memory_space<vmem>>, vector<1x64x2048xf32>,
    return
  }
  func.func @transform_0(%arg0: i32) -> (i32, i32) {
    %c0_i32 = arith.constant 0 : i32
    %c0_i32_0 = arith.constant 0 : i32
    return %arg0, %c0_i32 : i32, i32
  }
  func.func @transform_1(%arg0: i32) -> (i32, i32) {
    %c0_i32 = arith.constant 0 : i32
    %c0_i32_0 = arith.constant 0 : i32
    %c0_i32_1 = arith.constant 0 : i32
    return %c0_i32, %c0_i32_0 : i32, i32
  }
  func.func @transform_2(%arg0: i32) -> (i32, i32, i32) {
    %c0_i32 = arith.constant 0 : i32
    %c0_i32_0 = arith.constant 0 : i32
    %c0_i32_1 = arith.constant 0 : i32
    return %arg0, %c0_i32, %c0_i32_0 : i32, i32, i32
  }
}

module attributes {stable_mosaic.version = 14 : i64} {
  func.func @_pairs_tc_kernel(%arg0: i32, %arg1: memref<64x2944xf32, #tpu.memory_space<vmem>>, %arg2: memref<64x2944xf32, #tpu.memory_space<vmem>>, %arg3: memref<2944x128xf32, #tpu.memory_space<vmem>>) attributes {dimension_semantics = [#tpu.dimension_semantics<arbitrary>], iteration_bounds = array<i64: 17>, scalar_prefetch = 0 : i64, scratch_operands = 0 : i64, tpu.core_type = #tpu.core_type<tc>, window_params = [{transform_indices = @transform_0, window_bounds = array<i64: 64, 2944>}, {transform_indices = @transform_1, window_bounds = array<i64: 64, 2944>}, {transform_indices = @transform_2, window_bounds = array<i64: 2944, 128>}]} {
    %get3A = arith.constant 0 : index
    %get3A_0 = arith.constant 0 : index
    %get3A_1 = vector.load %arg1[%get3A, %get3A_0] : memref<64x2944xf32, #tpu.memory_space<vmem>>, vector<64x2944xf32>
    %transpose3A = tpu.transpose %get3A_1, [1, 0] : vector<64x2944xf32> -> vector<2944x64xf32>
    %get3A_2 = arith.constant 0 : index
    %get3A_3 = arith.constant 0 : index
    %get3A_4 = vector.load %arg2[%get3A_2, %get3A_3] : memref<64x2944xf32, #tpu.memory_space<vmem>>, vector<64x2944xf32>
    %transpose3A_5 = tpu.transpose %get3A_4, [1, 0] : vector<64x2944xf32> -> vector<2944x64xf32>
    %concatenate3A = tpu.concatenate %transpose3A, %transpose3A_5 in 1 : vector<2944x64xf32>, vector<2944x64xf32> -> vector<2944x128xf32>
    %swap3A = arith.constant 0 : index
    %swap3A_6 = arith.constant 0 : index
    %swap3A_7 = vector.load %arg3[%swap3A, %swap3A_6] : memref<2944x128xf32, #tpu.memory_space<vmem>>, vector<2944x128xf32>
    tpu.vector_store %arg3[%swap3A, %swap3A_6], %concatenate3A {strides = array<i32>} : memref<2944x128xf32, #tpu.memory_space<vmem>>, vector<2944x128xf32>,
    return
  }
  func.func @transform_0(%arg0: i32) -> (i32, i32) {
    %c0_i32 = arith.constant 0 : i32
    %c0_i32_0 = arith.constant 0 : i32
    return %c0_i32, %arg0 : i32, i32
  }
  func.func @transform_1(%arg0: i32) -> (i32, i32) {
    %add3A = arith.constant 17 : i32
    %add3A_0 = arith.addi %arg0, %add3A : i32
    %c0_i32 = arith.constant 0 : i32
    %c0_i32_1 = arith.constant 0 : i32
    return %c0_i32, %add3A_0 : i32, i32
  }
  func.func @transform_2(%arg0: i32) -> (i32, i32) {
    %c0_i32 = arith.constant 0 : i32
    %c0_i32_0 = arith.constant 0 : i32
    return %arg0, %c0_i32 : i32, i32
  }
}

</mosaic_0001>

<sc_bundles>
// kernel: kernel.5.cloned.1.call-start
scs
__scs_entry_jumppad:
0x0: {  	(pc) =	sbr.rel $0x88, $3  }
0x1: {  	(tag) =	ssettag $0x0;
	lr =	simm.s32 $0x1  }
0x2: {  	[smem:$0x3F9E] =	sst lr;
	_ =	strace $0xD0000000  }
0x3: {  	_ = 	snop  }
0x4: {  	_ = 	snop  }
0x5: {  	_ = 	snop  }
0x6: {  	_ = 	snop  }
0x7: {  	_ = 	snop  }
__scs_overlays_trampoline_lowered:
0x8: {  	[smem:$0x3FAD] =	sst s0  }
0x9: {  	[smem:$0x3FAE] =	sst s1  }
0xa: {  	[smem:$0x3FAF] =	sst s2  }
0xb: {  	[smem:$0x3FB0] =	sst s3  }
0xc: {  	[smem:$0x3FB1] =	sst s4  }
0xd: {  	[smem:$0x3FB2] =	sst s5  }
0xe: {  	[smem:$0x3FB3] =	sst s6  }
0xf: {  	[smem:$0x3FB4] =	sst s7  }
0x10: {  	[smem:$0x3FB5] =	sst s8  }
0x11: {  	[smem:$0x3FB6] =	sst s9;
	s0 =	simm.s32 @!p0 $0x0  }
0x12: {  	s1 =	sld [smem:$0x3F9C];
	s0 =	simm.s32 @p0 $0x1  }
0x13: {  	[smem:$0x3FB7] =	sst s0;
	s0 =	simm.s32 @!p1 $0x0  }
0x14: {  	s2 =	sld [smem:$0x3F9B];
	s0 =	simm.s32 @p1 $0x1  }
0x15: {  	[smem:$0x3FB8] =	sst s0;
	s0 =	simm.s32 @!p2 $0x0  }
0x16: {  	s3 =	sld [smem:$0x3FDB];
	s0 =	simm.s32 @p2 $0x1  }
0x17: {  	s4 =	simm.s32 $0x1BF5;
	[smem:$0x3FBA] =	sst s0  }
0x18: {  	s0 =	sld [smem:$0x3F9D];
	_ =	swait.ge [sflag:s4], $0x0  }
0x19: {  	s7 =	sld [smem:$0x3F9E]  }
0x1a: {  	s8 =	sadd.s32 $0xFFFFE003, lr  }
0x1b: {  	s9 =	sadd.s32 $0xFFFFFEF7, lr;
	s5 =	simm.s32 $0xFFFFFFFF;
	p2 =	slt.u32 s8, $0xFFFFF086  }
0x1c: {  	p1 =	slt.u32 s9, $0xF7A;
	s5 =	simm.s32 @!p2 $0x0  }
0x1d: {  	s5 =	simm.s32 @p1 $0x1;
	p0 =	seq.s32 s7, s2  }
0x1e: {  	s7 =	smul.u32 @!p0 $0xF7A, s2;
	p2 =	seq.s32 @!p0 s5, $0x0  }
0x1f: {  	s9 =	smul.u32 $0xF7A, s1;
	s8 =	simm.s32 @!p0 $0x1BF5;
	p2 =	por !p2, p0  }
0x20: {  	[sflag:s8] =	ssyncset.s32 @!p0 $0xFFFFF086;
	s6 =	sadd.s32 @!p0 s3, s7;
	s7 =	simm.s32 @!p0 $0x108  }
0x21: {  	s3 =	sadd.s32 s3, s9;
	s6 =	sadd.s32 @!p0 $0x88, s6;
	s7 =	simm.s32 @p2 $0x1082  }
0x22: {  	[simem:s7], [sflag:s8] =	dma.local @!p0 [hbm:s6], $0xF7A  }
0x23: {  	s9 =	sor.u32 $0xD0000000, s2;
	s6 =	simm.s32 $0x108;
	_ =	swait.ge @!p0 [sflag:s8], $0x0  }
0x24: {  	s3 =	sadd.s32 $0x88, s3;
	s6 =	simm.s32 @!p1 $0x1082;
	[sflag:s4] =	ssyncset.s32 $0xFFFFF086  }
0x25: {  	[simem:s6], [sflag:s4] =	dma.local [hbm:s3], $0xF7A  }
0x26: {  	[smem:$0x3F9E] =	sst s1;
	(tag) =	ssettag s2;
	_ =	strace s9  }
0x27: {  	s1 =	sld [smem:$0x3FAE]  }
0x28: {  	s2 =	sld [smem:$0x3FAF]  }
0x29: {  	s4 =	sld [smem:$0x3FB1]  }
0x2a: {  	p0 =	seq.s32 s5, $0x0;
	s5 =	sld [smem:$0x3FB2]  }
0x2b: {  	s6 =	sld [smem:$0x3FB3]  }
0x2c: {  	s7 =	sld [smem:$0x3FB4]  }
0x2d: {  	s3 =	simm.s32 $0x108;
	s8 =	sld [smem:$0x3FB5]  }
0x2e: {  	s3 =	simm.s32 @!p0 $0x1082;
	s9 =	sld [smem:$0x3FB6]  }
0x2f: {  	lr =	sadd.s32 s0, s3;
	s0 =	sld [smem:$0x3FAD]  }
0x30: {  	s3 =	sld [smem:$0x3FB0]  }
0x31: {  	[smem:$0x3FB9] =	sst s10  }
0x32: {  	s10 =	sld [smem:$0x3FB7];
	_ =	sdelay $0x3  }
0x33: {  	p0 =	seq.s32 s10, $0x1;
	s10 =	sld [smem:$0x3FB9];
	_ =	sdelay $0x3  }
0x34: {  	[smem:$0x3FB9] =	sst s10  }
0x35: {  	s10 =	sld [smem:$0x3FB8];
	_ =	sdelay $0x3  }
0x36: {  	p1 =	seq.s32 s10, $0x1;
	s10 =	sld [smem:$0x3FB9];
	_ =	sdelay $0x3  }
0x37: {  	[smem:$0x3FB9] =	sst s10  }
0x38: {  	s10 =	sld [smem:$0x3FBA]  }
0x39: {  	_ = 	snop;
	(pc) =	sbr.ind lr, $3  }
0x3a: {  	_ = 	snop  }
0x3b: {  	_ = 	snop  }
0x3c: {  	p2 =	seq.s32 s10, $0x1;
	s10 =	sld [smem:$0x3FB9]  }
0x3d: {  	_ =	shalt  }
0x3e: {  	_ =	shalt  }
0x3f: {  	_ =	shalt  }
0x40: {  	_ =	shalt  }
0x41: {  	_ =	shalt  }
0x42: {  	_ =	shalt  }
0x43: {  	_ =	shalt  }
0x44: {  	_ =	shalt  }
0x45: {  	_ =	shalt  }
0x46: {  	_ =	shalt  }
0x47: {  	_ =	shalt  }
0x48: {  	_ =	shalt  }
0x49: {  	_ =	shalt  }
0x4a: {  	_ =	shalt  }
0x4b: {  	_ =	shalt  }
0x4c: {  	_ =	shalt  }
0x4d: {  	_ =	shalt  }
0x4e: {  	_ =	shalt  }
0x4f: {  	_ =	shalt  }
0x50: {  	_ =	shalt  }
0x51: {  	_ =	shalt  }
0x52: {  	_ =	shalt  }
0x53: {  	_ =	shalt  }
0x54: {  	_ =	shalt  }
0x55: {  	_ =	shalt  }
0x56: {  	_ =	shalt  }
0x57: {  	_ =	shalt  }
0x58: {  	_ =	shalt  }
0x59: {  	_ =	shalt  }
0x5a: {  	_ =	shalt  }
0x5b: {  	_ =	shalt  }
0x5c: {  	_ =	shalt  }
0x5d: {  	_ =	shalt  }
0x5e: {  	_ =	shalt  }
0x5f: {  	_ =	shalt  }
0x60: {  	_ =	shalt  }
0x61: {  	_ =	shalt  }
0x62: {  	_ =	shalt  }
0x63: {  	_ =	shalt  }
0x64: {  	_ =	shalt  }
0x65: {  	_ =	shalt  }
0x66: {  	_ =	shalt  }
0x67: {  	_ =	shalt  }
0x68: {  	_ =	shalt  }
0x69: {  	_ =	shalt  }
0x6a: {  	_ =	shalt  }
0x6b: {  	_ =	shalt  }
0x6c: {  	_ =	shalt  }
0x6d: {  	_ =	shalt  }
0x6e: {  	_ =	shalt  }
0x6f: {  	_ =	shalt  }
0x70: {  	_ =	shalt  }
0x71: {  	_ =	shalt  }
0x72: {  	_ =	shalt  }
0x73: {  	_ =	shalt  }
0x74: {  	_ =	shalt  }
0x75: {  	_ =	shalt  }
0x76: {  	_ =	shalt  }
0x77: {  	_ =	shalt  }
0x78: {  	_ =	shalt  }
0x79: {  	_ =	shalt  }
0x7a: {  	_ =	shalt  }
0x7b: {  	_ =	shalt  }
0x7c: {  	_ =	shalt  }
0x7d: {  	_ =	shalt  }
0x7e: {  	_ =	shalt  }
0x7f: {  	_ =	shalt  }
0x80: {  	_ =	shalt  }
0x81: {  	_ =	shalt  }
0x82: {  	_ =	shalt  }
0x83: {  	_ =	shalt  }
0x84: {  	_ =	shalt  }
0x85: {  	_ =	shalt  }
0x86: {  	_ =	shalt  }
0x87: {  	_ =	shalt  }
.Lfunc_end0:
.L_simem_size_0:
called_computation_lowered:
.L_overlay_start_0:
0x88: {  	s2 =	sld [smem:$0x3FD9]  }
0x89: {  	s3 =	sld [smem:$0x3FFE];
	_ =	sdelay $0x1  }
0x8a: {  	s1 =	srdreg.scid  }
0x8b: {  	s0 =	sand.u32 $0x1, s1  }
0x8c: {  	s17 =	sshll.u32 s0, $0xA;
	s2 =	sadd.s32 s3, s2  }
0x8d: {  	s2 =	sadd.s32 s2, s17  }
0x8e: {  	[smem:$0x3FC5] =	sst s2  }
0x8f: {  	_ = 	snop  }
0x90: {  	s2 =	sld [smem:$0x3FC9];
	(tm) =	ssettm $0x1  }
0x91: {  	s18 =	sld [smem:$0x3FFB];
	_ =	sdelay $0x3  }
0x92: {  	_ =	strace s18  }
0x93: {  	s3 =	sld [smem:$0x3FFC];
	_ =	sdelay $0x3  }
0x94: {  	_ =	strace s3  }
0x95: {  	s3 =	sld [smem:$0x3FFD];
	_ =	sdelay $0x3  }
0x96: {  	_ =	strace s3  }
0x97: {  	_ =	strace $0x8FFFFFFF  }
0x98: {  	s19 =	sld [smem:$0x3FDB];
	_ =	sdelay $0x1  }
0x99: {  	s4 =	simm.s32 $_scs_section_size  }
0x9a: {  	s5 =	simm.s32 $_size__tile_overlayer_lowered;
	s6 =	simm.s32 $_tile_overlayer_lowered  }
0x9b: {  	s22 =	simm.s32 $0x1BFF;
	s21 =	sshll.u32 s6, $0x1;
	s3 =	sadd.s32 s4, s19  }
0x9c: {  	s7 =	simm.s32 $0x0;
	s20 =	sshll.u32 s5, $0x1;
	s5 =	sadd.s32 s21, s3  }
0x9d: {  	[timem:s7], [sflag:s22] =	dma.local [hbm:s5], s20  }
0x9e: {  	_ =	swait.ge [sflag:s22], s20  }
0x9f: {  	s4 =	ssub.s32 $0x0, s20;
	[sflag:s22] =	ssyncset.done $0x0  }
0xa0: {  	[sflag:s22] =	ssyncadd.s32 s4;
	_ =	sdelay $0x1  }
0xa1: {  	s23 =	simm.s32 $0x1B8B  }
0xa2: {  	_ =	swait.ge [sflag:s23], $0x1  }
0xa3: {  	[sflag:s23] =	ssyncset.done $0x0  }
0xa4: {  	s25 =	simm.s32 $0x1B8E;
	s24 =	sld [smem:$0x3FFE];
	[sflag:s23] =	ssyncadd.s32 $0xFFFFFFFF  }
0xa5: {  	s26 =	simm.s32 $execute0_lowered;
	[smem:$0x3FD2] =	sst s25  }
0xa6: {  	s5 =	sshll.u32 s26, $0x1;
	_ =	strace $0x80000046;
	[dreg:$0x1] =	wrdreg $0xFFFFFFFF  }
0xa7: {  	s28 =	simm.s32 $_size_execute0_lowered;
	s3 =	sadd.s32 s3, s5;
	[dreg:$0x0] =	wrdreg $0x0  }
0xa8: {  	s5 =	sshll.u32 s28, $0x1;
	[dreg:$0x2] =	wrdreg s3  }
0xa9: {  	[dreg:$0x3] =	wrdreg s5  }
0xaa: {  	[dreg:$0x4] =	wrdreg $0xC0  }
0xab: {  	_ =	task [dreg:s7], $0x5FFFF  }
0xac: {  	[dreg:$0x1] =	wrdreg $0xFFFFFFFF  }
0xad: {  	[dreg:$0x0] =	wrdreg $0x60  }
0xae: {  	[dreg:$0x2] =	wrdreg s2  }
0xaf: {  	[dreg:$0x3] =	wrdreg s24  }
0xb0: {  	[dreg:$0x4] =	wrdreg $0x9  }
0xb1: {  	_ =	task.clear_ibuf [dreg:s7], $0x5FFFF;
	_ =	strace $0x90000046  }
0xb2: {  	s29 =	simm.s32 $0x9;
	_ =	strace $0x80000048  }
0xb3: {  	_ =	swait.ge [sflag:s29], $0x1  }
0xb4: {  	[sflag:s29] =	ssyncadd.s32 $0xFFFFFFFF  }
0xb5: {  	_ =	strace $0x90000048  }
0xb6: {  	_ =	sfence  }
0xb7: {  	s30 =	sld [smem:$0x0];
	_ =	sdelay $0x2  }
0xb8: {  	s31 =	sshll.u32 s1, $0xD;
	s1 =	sshrl.u32 s1, $0x2  }
0xb9: {  	s3 =	sand.u32 $0x4000, s31;
	s1 =	sadd.s32 s1, s30  }
0xba: {  	s0 =	sor.u32 s3, s0;
	s1 =	sshll.u32 s1, $0x11  }
0xbb: {  	s0 =	sor.u32 s1, s0  }
0xbc: {  	s0 =	sadd.s32 $0x8F2B, s0  }
0xbd: {  	[sflag:s0] =	ssyncadd.remote.s32 $0x1  }
0xbe: {  	_ =	sfence.sel $0xFFFF  }
0xbf: {  	[dreg:$0x0] =	wrdreg $0xFFFFFFFF;
	(pc) =	sbr.abs _section_cstart, $3  }
0xc0: {  	[dreg:$0x1] =	wrdreg $0xFFFFFFFF  }
0xc1: {  	_ =	task.clear_ibuf [dreg:s7], $0x2FFFF;
	_ =	strace $0x9FFFFFFF  }
0xc2: {  	(tm) =	ssettm $0x7FFFFFFF  }
0xc3: {  	_ =	shalt  }
tec
execute0_lowered:
.L_overlay_start_1:
0x0: {  	(tag) =	ssettag $0x1  }
0x1: {  	s4 =	rddreg [dreg:$0x0]  }
0x2: {  	s5 =	rddreg [dreg:$0x1]  }
0x3: {  	s0 =	rddreg [dreg:$0x2]  }
0x4: {  	s1 =	stileid.u32;
	s2 =	simm.s32 $0x0;
	s3 =	srdreg.scid  }
0x5: {  	s14 =	simm.s32 $0x3;
	s15 =	simm.s32 $0x80;
	s16 =	simm.s32 $0x400  }
0x6: {  	s17 =	simm.s32 $0x800;
	s18 =	simm.s32 $0x480;
	s19 =	simm.s32 $0x2800  }
0x7: {  	s20 =	simm.s32 $0x1;
	s21 =	simm.s32 $0x40;
	s22 =	simm.s32 $0x500  }
0x8: {  	s23 =	simm.s32 $0x4800;
	s28 =	simm.s32 $0x600;
	s29 =	simm.s32 $0x680  }
0x9: {  	s30 =	simm.s32 $0x700;
	s31 =	simm.s32 $0x780;
	s6 =	sshll.u32 s1, $0x1  }
0xa: {  	[smem:$0x7FF] =	sst s2;
	s7 =	sand.u32 $0x1, s3;
	s3 =	sadd.s32 $0x800, s5  }
0xb: {  	s9 =	sshrl.u32 s1, $0x3;
	s24 =	sand.u32 $0xE, s6;
	_ =	strace $0x80000047  }
0xc: {  	s26 =	sshll.u32 s9, $0xB;
	s9 =	sshll.u32 s9, $0x12;
	s6 =	sor.u32 s7, s24  }
0xd: {  	s7 =	ssub.s32 $0x2, s7;
	s4 =	sadd.s32 s4, s26;
	s24 =	simm.s32 $0x580  }
0xe: {  	s26 =	simm.s32 $0x2;
	s8 =	sshll.u32 s6, $0xB;
	s25 =	sshrl.u32 s7, $0x1  }
0xf: {  	s6 =	sshll.u32 s6, $0x7;
	s5 =	sadd.s32 s8, s5;
	s7 =	ssub.s32 s7, s25  }
0x10: {  	s4 =	sadd.s32 s6, s4;
	s25 =	simm.s32 $0x6800;
	s13 =	sadd.s32 s9, s5  }
0x11: {  	s6 =	smax.u32 s7, $0x1;
	s5 =	sadd.s32 $0xC4000, s13;
	s7 =	sadd.s32 $0xCC000, s13  }
0x12: {  	s8 =	sadd.s32 $0xD4000, s13;
	s9 =	sadd.s32 $0xDC000, s13;
	s10 =	sadd.s32 $0xE4000, s13  }
0x13: {  	s11 =	sadd.s32 $0xEC000, s13;
	s12 =	sadd.s32 $0xF4000, s13;
	s13 =	sadd.s32 $0xFC000, s13  }
.LBB2_1:
0x14: {  	[tilespmem:s2], [sflag:$0x3] =	stream.linear.gather [hbm4b:s4+s2], $0x400, $0x38;
	[tilespmem:$0x8800] =	vst v63  }
0x15: {  	_ =	swait.ge [sflag:s14], $0x400  }
0x16: {  	[sflag:s14] =	ssyncset.done $0x0  }
0x17: {  	[sflag:s14] =	ssyncadd.s32 $0xFFFFFC00  }
0x18: {  	v0 =	vld [tilespmem:$0x0]  }
0x19: {  	v1 =	vld [tilespmem:$0x10]  }
0x1a: {  	v2 =	vld [tilespmem:$0x20]  }
0x1b: {  	v3 =	vld [tilespmem:$0x30]  }
0x1c: {  	v4 =	vld [tilespmem:$0x40]  }
0x1d: {  	v6 =	vld [tilespmem:$0x50]  }
0x1e: {  	v61 =	vld [tilespmem:$0x60]  }
0x1f: {  	v9 =	vld [tilespmem:$0x70]  }
0x20: {  	v10 =	vld [tilespmem:$0x80]  }
0x21: {  	v12 =	vld [tilespmem:$0x90]  }
0x22: {  	v19 =	vld [tilespmem:$0xA0]  }
0x23: {  	v22 =	vld [tilespmem:$0xB0]  }
0x24: {  	v25 =	vld [tilespmem:$0xC0]  }
0x25: {  	v15 =	vld [tilespmem:$0xD0];
	v5 =	vshll.u32 v0, $0x1;
	vm0 =	vlt.s32 v0, $0xC380;
	v58 =	vshll.u32 v1, $0x1  }
0x26: {  	v31 =	vld [tilespmem:$0x100];
	vm1 =	vlt.s32 v1, $0xC380;
	v60 =	vshll.u32 v2, $0x1;
	vm15 =	vlt.s32 v2, $0xC380  }
0x27: {  	v34 =	vld [tilespmem:$0x110];
	v8 =	vshll.u32 v3, $0x1;
	vm4 =	vlt.s32 v3, $0xC380;
	v16 =	vshll.u32 v4, $0x1  }
0x28: {  	v37 =	vld [tilespmem:$0x120];
	vm5 =	vlt.s32 v4, $0xC380;
	v17 =	vshll.u32 v6, $0x1;
	vm2 =	vlt.s32 v6, $0xC380  }
0x29: {  	v44 =	vld [tilespmem:$0x160];
	v20 =	vshll.u32 v61, $0x1;
	vm6 =	vlt.s32 v61, $0xC380;
	v21 =	vshll.u32 v9, $0x1  }
0x2a: {  	v52 =	vld [tilespmem:$0x180];
	vm7 =	vlt.s32 v9, $0xC380;
	v24 =	vshll.u32 v10, $0x1;
	vm8 =	vlt.s32 v10, $0xC380  }
0x2b: {  	v14 =	vshll.u32 v12, $0x1;
	vm9 =	vlt.s32 v12, $0xC380;
	v28 =	vshll.u32 v19, $0x1  }
0x2c: {  	vm10 =	vlt.s32 v19, $0xC380;
	v29 =	vshll.u32 v22, $0x1;
	vm11 =	vlt.s32 v22, $0xC380  }
0x2d: {  	v32 =	vshll.u32 v25, $0x1;
	vm12 =	vlt.s32 v25, $0xC380;
	v33 =	vshll.u32 v15, $0x1  }
0x2e: {  	vm13 =	vlt.s32 v15, $0xC380;
	v40 =	vshll.u32 v31, $0x1;
	v41 =	vshll.u32 v34, $0x1  }
0x2f: {  	v45 =	vshll.u32 v37, $0x1;
	v57 =	vshll.u32 v44, $0x1;
	v25 =	vshll.u32 v52, $0x1  }
0x30: {  	v7 =	vadd.s32 $0xFFFE7901, v5;
	v59 =	vadd.s32 $0xFFFE7901, v58;
	v62 =	vadd.s32 $0xFFFE7901, v60  }
0x31: {  	v63 =	vadd.s32 $0xFFFE7901, v8;
	v11 =	vadd.s32 $0xFFFE7901, v16;
	v18 =	vadd.s32 $0xFFFE7901, v17  }
0x32: {  	v13 =	vadd.s32 $0xFFFE7901, v20;
	v23 =	vadd.s32 $0xFFFE7901, v21;
	v26 =	vadd.s32 $0xFFFE7901, v24  }
0x33: {  	v27 =	vadd.s32 $0xFFFE7901, v14;
	v30 =	vadd.s32 $0xFFFE7901, v29;
	v19 =	vadd.s32 $0xFFFE7901, v32  }
0x34: {  	v35 =	vadd.s32 $0xFFFE7901, v33;
	v42 =	vadd.s32 $0xFFFE7901, v41;
	v48 =	vadd.s32 $0xFFFE7901, v45  }
0x35: {  	v5 =	vsel vm0, v5, v7;
	v0 =	vsel vm1, v58, v59;
	v1 =	vsel vm15, v60, v62  }
0x36: {  	v47 =	vld [tilespmem:$0x170];
	v2 =	vsel vm4, v8, v63;
	v3 =	vsel vm5, v16, v11;
	v4 =	vsel vm2, v17, v18  }
0x37: {  	v55 =	vld [tilespmem:$0x190];
	v8 =	vsel vm6, v20, v13;
	v7 =	vsel vm7, v21, v23;
	v9 =	vsel vm8, v24, v26  }
0x38: {  	v22 =	vld [tilespmem:$0x140];
	v17 =	vadd.s32 $0xFFFE7901, v28;
	v10 =	vsel vm9, v14, v27;
	v6 =	vsel vm11, v29, v30  }
0x39: {  	v16 =	vld [tilespmem:$0xE0];
	v14 =	vsel vm12, v32, v19;
	v13 =	vsel vm13, v33, v35;
	vm4 =	vlt.s32 v31, $0xC380  }
0x3a: {  	v18 =	vld [tilespmem:$0xF0];
	v23 =	vadd.s32 $0xFFFE7901, v40;
	vm5 =	vlt.s32 v34, $0xC380;
	vm6 =	vlt.s32 v37, $0xC380  }
0x3b: {  	v21 =	vld [tilespmem:$0x130];
	v58 =	vshll.u32 v47, $0x1;
	v60 =	vadd.s32 $0xFFFE7901, v57;
	vm11 =	vlt.s32 v47, $0xC380  }
0x3c: {  	v24 =	vld [tilespmem:$0x150];
	vm12 =	vlt.s32 v52, $0xC380;
	v26 =	vshll.u32 v55, $0x1;
	vm13 =	vlt.s32 v55, $0xC380;
	[tilespmem:$0x400] =	vst v5  }
0x3d: {  	v59 =	vld [tilespmem:$0x1A0];
	v12 =	vsel vm10, v28, v17;
	v11 =	vsel vm5, v41, v42;
	[tilespmem:$0x410] =	vst v0;
	v0 =	vsel vm6, v45, v48  }
0x3e: {  	v62 =	vld [tilespmem:$0x1B0];
	[tilespmem:$0x420] =	vst v1;
	vm10 =	vlt.s32 v44, $0xC380;
	v61 =	vadd.s32 $0xFFFE7901, v58;
	v28 =	vadd.s32 $0xFFFE7901, v25  }
0x3f: {  	v27 =	vld [tilespmem:$0x1D0];
	[tilespmem:$0x450] =	vst v4;
	v29 =	vadd.s32 $0xFFFE7901, v26;
	v4 =	vsel vm10, v57, v60;
	v63 =	vsel vm11, v58, v61  }
0x40: {  	v33 =	vld [tilespmem:$0x1E0];
	[tilespmem:$0x430] =	vst v2;
	v30 =	vsel vm12, v25, v28;
	v31 =	vsel vm13, v26, v29;
	v51 =	vshll.u32 v22, $0x1  }
0x41: {  	v47 =	vld [tilespmem:$0x230];
	[tilespmem:$0x440] =	vst v3;
	vm8 =	vlt.s32 v22, $0xC380;
	v53 =	vadd.s32 $0xFFFE7901, v51;
	v36 =	vshll.u32 v16, $0x1  }
0x42: {  	v52 =	vld [tilespmem:$0x240];
	[tilespmem:$0x460] =	vst v8;
	vm14 =	vlt.s32 v16, $0xC380;
	v20 =	vshll.u32 v18, $0x1;
	vm15 =	vlt.s32 v18, $0xC380  }
0x43: {  	v55 =	vld [tilespmem:$0x250];
	[tilespmem:$0x470] =	vst v7;
	v16 =	vsel vm4, v40, v23;
	v46 =	vshll.u32 v21, $0x1;
	vm7 =	vlt.s32 v21, $0xC380  }
0x44: {  	[tilespmem:$0x480] =	vst v9;
	v54 =	vshll.u32 v24, $0x1;
	v2 =	vsel vm8, v51, v53;
	vm9 =	vlt.s32 v24, $0xC380  }
0x45: {  	[tilespmem:$0x490] =	vst v10;
	v32 =	vshll.u32 v59, $0x1;
	v35 =	vshll.u32 v62, $0x1;
	vm5 =	vlt.s32 v27, $0xC380  }
0x46: {  	[tilespmem:$0x4B0] =	vst v6;
	v44 =	vld [tilespmem:$0x220];
	v45 =	vshll.u32 v33, $0x1;
	vm6 =	vlt.s32 v33, $0xC380;
	v58 =	vshll.u32 v47, $0x1  }
0x47: {  	[tilespmem:$0x4C0] =	vst v14;
	vm11 =	vlt.s32 v47, $0xC380;
	v21 =	vshll.u32 v52, $0x1;
	vm12 =	vlt.s32 v52, $0xC380  }
0x48: {  	[tilespmem:$0x4D0] =	vst v13;
	v22 =	vshll.u32 v55, $0x1;
	vm13 =	vlt.s32 v55, $0xC380;
	v38 =	vadd.s32 $0xFFFE7901, v36  }
0x49: {  	[tilespmem:$0x4A0] =	vst v12;
	v39 =	vadd.s32 $0xFFFE7901, v20;
	v49 =	vadd.s32 $0xFFFE7901, v46;
	v56 =	vadd.s32 $0xFFFE7901, v54  }
0x4a: {  	[tilespmem:$0x510] =	vst v11;
	v34 =	vadd.s32 $0xFFFE7901, v32;
	v37 =	vadd.s32 $0xFFFE7901, v35;
	v48 =	vadd.s32 $0xFFFE7901, v45  }
0x4b: {  	[tilespmem:$0x520] =	vst v0;
	v28 =	vld [tilespmem:$0x2A0];
	v57 =	vshll.u32 v44, $0x1;
	vm10 =	vlt.s32 v44, $0xC380;
	v61 =	vadd.s32 $0xFFFE7901, v58  }
0x4c: {  	[tilespmem:$0x560] =	vst v4;
	v25 =	vadd.s32 $0xFFFE7901, v22;
	v15 =	vsel vm14, v36, v38;
	v43 =	vsel vm15, v20, v39  }
0x4d: {  	[tilespmem:$0x570] =	vst v63;
	v24 =	vld [tilespmem:$0x1C0];
	v50 =	vsel vm7, v46, v49;
	v3 =	vsel vm9, v54, v56;
	vm14 =	vlt.s32 v59, $0xC380  }
0x4e: {  	[tilespmem:$0x580] =	vst v30;
	v40 =	vld [tilespmem:$0x200];
	vm15 =	vlt.s32 v62, $0xC380;
	v39 =	vshll.u32 v27, $0x1;
	v0 =	vsel vm6, v45, v48  }
0x4f: {  	[tilespmem:$0x590] =	vst v31;
	v23 =	vld [tilespmem:$0x290];
	v60 =	vadd.s32 $0xFFFE7901, v57;
	v63 =	vsel vm11, v58, v61;
	v26 =	vsel vm13, v22, v25  }
0x50: {  	v52 =	vld [tilespmem:$0x310];
	[tilespmem:$0x500] =	vst v16;
	vm6 =	vlt.s32 v28, $0xC380;
	v10 =	vsel vm14, v32, v34;
	v42 =	vadd.s32 $0xFFFE7901, v39  }
0x51: {  	[tilespmem:$0x540] =	vst v2;
	v44 =	vld [tilespmem:$0x2F0];
	v13 =	vsel vm15, v35, v37;
	v4 =	vsel vm10, v57, v60;
	v8 =	vsel vm5, v39, v42  }
0x52: {  	v36 =	vld [tilespmem:$0x1F0];
	[tilespmem:$0x4E0] =	vst v15;
	v42 =	vshll.u32 v28, $0x1;
	v38 =	vshll.u32 v24, $0x1;
	vm4 =	vlt.s32 v24, $0xC380  }
0x53: {  	v59 =	vld [tilespmem:$0x260];
	[tilespmem:$0x4F0] =	vst v43;
	v51 =	vshll.u32 v40, $0x1;
	vm8 =	vlt.s32 v40, $0xC380;
	v24 =	vadd.s32 $0xFFFE7901, v21  }
0x54: {  	v62 =	vld [tilespmem:$0x270];
	[tilespmem:$0x530] =	vst v50;
	v34 =	vshll.u32 v23, $0x1;
	vm5 =	vlt.s32 v23, $0xC380;
	v45 =	vadd.s32 $0xFFFE7901, v42  }
0x55: {  	v20 =	vld [tilespmem:$0x280];
	[tilespmem:$0x550] =	vst v3;
	v12 =	vshll.u32 v52, $0x1;
	vm13 =	vlt.s32 v52, $0xC380;
	v41 =	vadd.s32 $0xFFFE7901, v38  }
0x56: {  	[tilespmem:$0x5E0] =	vst v0;
	v53 =	vadd.s32 $0xFFFE7901, v51;
	v9 =	vsel vm12, v21, v24;
	v37 =	vadd.s32 $0xFFFE7901, v34  }
0x57: {  	v43 =	vld [tilespmem:$0x210];
	[tilespmem:$0x630] =	vst v63;
	v55 =	vshll.u32 v44, $0x1;
	vm11 =	vlt.s32 v44, $0xC380;
	v17 =	vadd.s32 $0xFFFE7901, v12  }
0x58: {  	v31 =	vld [tilespmem:$0x2B0];
	[tilespmem:$0x650] =	vst v26;
	v5 =	vsel vm4, v38, v41;
	v46 =	vshll.u32 v36, $0x1;
	vm7 =	vlt.s32 v36, $0xC380  }
0x59: {  	v35 =	vld [tilespmem:$0x2C0];
	[tilespmem:$0x5A0] =	vst v10;
	v2 =	vsel vm8, v51, v53;
	v27 =	vshll.u32 v59, $0x1;
	vm14 =	vlt.s32 v59, $0xC380  }
0x5a: {  	v15 =	vld [tilespmem:$0x350];
	[tilespmem:$0x5B0] =	vst v13;
	v30 =	vshll.u32 v62, $0x1;
	vm15 =	vlt.s32 v62, $0xC380;
	v33 =	vshll.u32 v20, $0x1  }
0x5b: {  	[tilespmem:$0x620] =	vst v4;
	vm4 =	vlt.s32 v20, $0xC380;
	v40 =	vsel vm5, v34, v37;
	v58 =	vadd.s32 $0xFFFE7901, v55  }
0x5c: {  	[tilespmem:$0x5D0] =	vst v8;
	v18 =	vsel vm13, v12, v17;
	v49 =	vadd.s32 $0xFFFE7901, v46;
	v54 =	vshll.u32 v43, $0x1  }
0x5d: {  	v28 =	vld [tilespmem:$0x380];
	[tilespmem:$0x640] =	vst v9;
	vm9 =	vlt.s32 v43, $0xC380;
	v29 =	vadd.s32 $0xFFFE7901, v27;
	v32 =	vadd.s32 $0xFFFE7901, v30  }
0x5e: {  	v23 =	vld [tilespmem:$0x370];
	[tilespmem:$0x5C0] =	vst v5;
	v36 =	vadd.s32 $0xFFFE7901, v33;
	v43 =	vshll.u32 v31, $0x1;
	v48 =	vshll.u32 v35, $0x1  }
0x5f: {  	v52 =	vld [tilespmem:$0x3F0];
	[tilespmem:$0x600] =	vst v2;
	vm8 =	vlt.s32 v35, $0xC380;
	v61 =	vsel vm11, v55, v58;
	vm5 =	vlt.s32 v15, $0xC380  }
0x60: {  	v38 =	vld [tilespmem:$0x2D0];
	[tilespmem:$0x690] =	vst v40;
	v50 =	vsel vm7, v46, v49;
	v56 =	vadd.s32 $0xFFFE7901, v54;
	v5 =	vsel vm14, v27, v29  }
0x61: {  	v41 =	vld [tilespmem:$0x2E0];
	[tilespmem:$0x710] =	vst v18;
	v39 =	vsel vm15, v30, v32;
	v0 =	vsel vm4, v33, v36;
	vm7 =	vlt.s32 v31, $0xC380  }
0x62: {  	v59 =	vld [tilespmem:$0x330];
	v46 =	vadd.s32 $0xFFFE7901, v43;
	v27 =	vshll.u32 v15, $0x1;
	[tilespmem:$0x6F0] =	vst v61;
	v3 =	vsel vm9, v54, v56  }
0x63: {  	v62 =	vld [tilespmem:$0x340];
	[tilespmem:$0x5F0] =	vst v50;
	v47 =	vsel vm7, v43, v46;
	v50 =	vadd.s32 $0xFFFE7901, v48;
	v30 =	vadd.s32 $0xFFFE7901, v27  }
0x64: {  	v20 =	vld [tilespmem:$0x360];
	[tilespmem:$0x660] =	vst v5;
	v36 =	vshll.u32 v23, $0x1;
	vm7 =	vlt.s32 v23, $0xC380;
	v61 =	vshll.u32 v52, $0x1  }
0x65: {  	v34 =	vld [tilespmem:$0x3A0];
	[tilespmem:$0x610] =	vst v3;
	v3 =	vsel vm6, v42, v45;
	v6 =	vsel vm8, v48, v50;
	v33 =	vsel vm5, v27, v30  }
0x66: {  	v37 =	vld [tilespmem:$0x3B0];
	[tilespmem:$0x670] =	vst v39;
	v39 =	vadd.s32 $0xFFFE7901, v36;
	vm8 =	vlt.s32 v28, $0xC380;
	v51 =	vshll.u32 v38, $0x1  }
0x67: {  	[tilespmem:$0x680] =	vst v0;
	vm9 =	vlt.s32 v38, $0xC380;
	v54 =	vshll.u32 v41, $0x1;
	vm10 =	vlt.s32 v41, $0xC380  }
0x68: {  	[tilespmem:$0x6B0] =	vst v47;
	v22 =	vshll.u32 v59, $0x1;
	vm15 =	vlt.s32 v59, $0xC380;
	v26 =	vshll.u32 v62, $0x1  }
0x69: {  	[tilespmem:$0x6A0] =	vst v3;
	vm4 =	vlt.s32 v62, $0xC380;
	v35 =	vshll.u32 v20, $0x1;
	vm6 =	vlt.s32 v20, $0xC380  }
0x6a: {  	v49 =	vld [tilespmem:$0x300];
	[tilespmem:$0x6C0] =	vst v6;
	v40 =	vsel vm7, v36, v39;
	v41 =	vshll.u32 v28, $0x1;
	v47 =	vshll.u32 v34, $0x1  }
0x6b: {  	[tilespmem:$0x750] =	vst v33;
	v48 =	vshll.u32 v37, $0x1;
	vm11 =	vlt.s32 v37, $0xC380;
	v53 =	vadd.s32 $0xFFFE7901, v51  }
0x6c: {  	v31 =	vld [tilespmem:$0x390];
	v62 =	vadd.s32 $0xFFFE7901, v61;
	v57 =	vadd.s32 $0xFFFE7901, v54;
	[tilespmem:$0x770] =	vst v40;
	v60 =	vsel vm9, v51, v53  }
0x6d: {  	v25 =	vadd.s32 $0xFFFE7901, v22;
	v29 =	vadd.s32 $0xFFFE7901, v26;
	v2 =	vsel vm10, v54, v57;
	[tilespmem:$0x6D0] =	vst v60  }
0x6e: {  	v56 =	vld [tilespmem:$0x320];
	v38 =	vadd.s32 $0xFFFE7901, v35;
	v43 =	vadd.s32 $0xFFFE7901, v41;
	v32 =	vsel vm15, v22, v25;
	[tilespmem:$0x6E0] =	vst v2  }
0x6f: {  	v50 =	vadd.s32 $0xFFFE7901, v47;
	v63 =	vshll.u32 v49, $0x1;
	v0 =	vsel vm6, v35, v38;
	[tilespmem:$0x730] =	vst v32  }
0x70: {  	v42 =	vld [tilespmem:$0x3C0];
	vm12 =	vlt.s32 v49, $0xC380;
	vm10 =	vlt.s32 v34, $0xC380;
	v2 =	vsel vm4, v26, v29;
	[tilespmem:$0x760] =	vst v0  }
0x71: {  	v45 =	vld [tilespmem:$0x3D0];
	v44 =	vshll.u32 v31, $0x1;
	v51 =	vadd.s32 $0xFFFE7901, v48;
	v0 =	vsel vm10, v47, v50;
	[tilespmem:$0x740] =	vst v2  }
0x72: {  	vm9 =	vlt.s32 v31, $0xC380;
	v16 =	vadd.s32 $0xFFFE7901, v63;
	v53 =	vsel vm11, v48, v51;
	[tilespmem:$0x7A0] =	vst v0  }
0x73: {  	v49 =	vld [tilespmem:$0x3E0];
	vm15 =	vlt.s32 v52, $0xC380;
	v19 =	vshll.u32 v56, $0x1;
	v1 =	vsel vm12, v63, v16;
	[tilespmem:$0x7B0] =	vst v53  }
0x74: {  	vm14 =	vlt.s32 v56, $0xC380;
	v46 =	vadd.s32 $0xFFFE7901, v44;
	v2 =	vsel vm8, v41, v43;
	[tilespmem:$0x700] =	vst v1  }
0x75: {  	v21 =	vadd.s32 $0xFFFE7901, v19;
	v3 =	vsel vm9, v44, v46;
	v54 =	vshll.u32 v42, $0x1;
	[tilespmem:$0x780] =	vst v2  }
0x76: {  	vm12 =	vlt.s32 v42, $0xC380;
	v55 =	vshll.u32 v45, $0x1;
	v63 =	vsel vm15, v61, v62;
	[tilespmem:$0x790] =	vst v3  }
0x77: {  	vm13 =	vlt.s32 v45, $0xC380;
	v24 =	vsel vm14, v19, v21;
	v56 =	vadd.s32 $0xFFFE7901, v54;
	[tilespmem:$0x7F0] =	vst v63  }
0x78: {  	v57 =	vadd.s32 $0xFFFE7901, v55;
	[tilespmem:$0x720] =	vst v24;
	v0 =	vsel vm12, v54, v56;
	v59 =	vshll.u32 v49, $0x1  }
0x79: {  	v58 =	vsel vm13, v55, v57;
	[tilespmem:$0x7C0] =	vst v0;
	vm14 =	vlt.s32 v49, $0xC380;
	v60 =	vadd.s32 $0xFFFE7901, v59  }
0x7a: {  	[tilespmem:$0x7D0] =	vst v58;
	v0 =	vsel vm14, v59, v60  }
0x7b: {  	[tilespmem:$0x7E0] =	vst v0  }
0x7c: {  	[tilespmem:s17], [sflag:$0x1] =	stream.indirect.gather [hbm4b:s3+s15], $0x40, s16, s15, $0xb8;
	[tilespmem:$0x8800] =	vst v63  }
0x7d: {  	_ = 	snop  }
0x7e: {  	[tilespmem:s19], [sflag:$0x1] =	stream.indirect.gather [hbm4b:s3+s15], $0x40, s18, s15, $0xb8;
	[tilespmem:$0x8800] =	vst v63  }
0x7f: {  	_ =	swait.ge [sflag:s20], $0x2000  }
0x80: {  	[sflag:s20] =	ssyncset.done $0x0  }
0x81: {  	[sflag:s20] =	ssyncadd.s32 $0xFFFFE000  }
0x82: {  	[hbm4b:s5+s21] =	stream.strided.scatter [tilespmem:s17], [sflag:$0x2], $0x2000, s15, s21, $0x38;
	[tilespmem:$0x8800] =	vst v63  }
0x83: {  	_ = 	snop  }
0x84: {  	[tilespmem:s23], [sflag:$0x1] =	stream.indirect.gather [hbm4b:s3+s15], $0x40, s22, s15, $0xb8;
	[tilespmem:$0x8800] =	vst v63  }
0x85: {  	_ =	swait.ge [sflag:s20], $0x2000  }
0x86: {  	[sflag:s20] =	ssyncset.done $0x0  }
0x87: {  	[sflag:s20] =	ssyncadd.s32 $0xFFFFE000  }
0x88: {  	[hbm4b:s7+s21] =	stream.strided.scatter [tilespmem:s19], [sflag:$0x2], $0x2000, s15, s21, $0x38;
	[tilespmem:$0x8800] =	vst v63  }
0x89: {  	_ = 	snop  }
0x8a: {  	[tilespmem:s25], [sflag:$0x1] =	stream.indirect.gather [hbm4b:s3+s15], $0x40, s24, s15, $0xb8;
	[tilespmem:$0x8800] =	vst v63  }
0x8b: {  	_ =	swait.ge [sflag:s20], $0x2000  }
0x8c: {  	[sflag:s20] =	ssyncset.done $0x0  }
0x8d: {  	[sflag:s20] =	ssyncadd.s32 $0xFFFFE000  }
0x8e: {  	[hbm4b:s8+s21] =	stream.strided.scatter [tilespmem:s23], [sflag:$0x2], $0x2000, s15, s21, $0x38;
	[tilespmem:$0x8800] =	vst v63  }
0x8f: {  	_ =	swait.ge [sflag:s26], $0x2000  }
0x90: {  	[sflag:s26] =	ssyncset.done $0x0  }
0x91: {  	[sflag:s26] =	ssyncadd.s32 $0xFFFFE000  }
0x92: {  	[tilespmem:s17], [sflag:$0x1] =	stream.indirect.gather [hbm4b:s3+s15], $0x40, s28, s15, $0xb8;
	[tilespmem:$0x8800] =	vst v63  }
0x93: {  	_ =	swait.ge [sflag:s20], $0x2000  }
0x94: {  	[sflag:s20] =	ssyncset.done $0x0  }
0x95: {  	[sflag:s20] =	ssyncadd.s32 $0xFFFFE000  }
0x96: {  	[hbm4b:s9+s21] =	stream.strided.scatter [tilespmem:s25], [sflag:$0x2], $0x2000, s15, s21, $0x38;
	[tilespmem:$0x8800] =	vst v63  }
0x97: {  	_ =	swait.ge [sflag:s26], $0x2000  }
0x98: {  	[sflag:s26] =	ssyncset.done $0x0  }
0x99: {  	[sflag:s26] =	ssyncadd.s32 $0xFFFFE000  }
0x9a: {  	[tilespmem:s19], [sflag:$0x1] =	stream.indirect.gather [hbm4b:s3+s15], $0x40, s29, s15, $0xb8;
	[tilespmem:$0x8800] =	vst v63  }
0x9b: {  	_ =	swait.ge [sflag:s20], $0x2000  }
0x9c: {  	[sflag:s20] =	ssyncset.done $0x0  }
0x9d: {  	[sflag:s20] =	ssyncadd.s32 $0xFFFFE000  }
0x9e: {  	[hbm4b:s10+s21] =	stream.strided.scatter [tilespmem:s17], [sflag:$0x2], $0x2000, s15, s21, $0x38;
	[tilespmem:$0x8800] =	vst v63  }
0x9f: {  	_ =	swait.ge [sflag:s26], $0x2000  }
0xa0: {  	[sflag:s26] =	ssyncset.done $0x0  }
0xa1: {  	[sflag:s26] =	ssyncadd.s32 $0xFFFFE000  }
0xa2: {  	[tilespmem:s23], [sflag:$0x1] =	stream.indirect.gather [hbm4b:s3+s15], $0x40, s30, s15, $0xb8;
	[tilespmem:$0x8800] =	vst v63  }
0xa3: {  	_ =	swait.ge [sflag:s20], $0x2000  }
0xa4: {  	[sflag:s20] =	ssyncset.done $0x0  }
0xa5: {  	[sflag:s20] =	ssyncadd.s32 $0xFFFFE000  }
0xa6: {  	[hbm4b:s11+s21] =	stream.strided.scatter [tilespmem:s19], [sflag:$0x2], $0x2000, s15, s21, $0x38;
	[tilespmem:$0x8800] =	vst v63  }
0xa7: {  	_ =	swait.ge [sflag:s26], $0x2000  }
0xa8: {  	[sflag:s26] =	ssyncset.done $0x0  }
0xa9: {  	[sflag:s26] =	ssyncadd.s32 $0xFFFFE000  }
0xaa: {  	[tilespmem:s25], [sflag:$0x1] =	stream.indirect.gather [hbm4b:s3+s15], $0x40, s31, s15, $0xb8;
	[tilespmem:$0x8800] =	vst v63  }
0xab: {  	_ =	swait.ge [sflag:s20], $0x2000  }
0xac: {  	[sflag:s20] =	ssyncset.done $0x0  }
0xad: {  	[sflag:s20] =	ssyncadd.s32 $0xFFFFE000  }
0xae: {  	[hbm4b:s12+s21] =	stream.strided.scatter [tilespmem:s23], [sflag:$0x2], $0x2000, s15, s21, $0x38;
	[tilespmem:$0x8800] =	vst v63  }
0xaf: {  	_ =	swait.ge [sflag:s26], $0x2000  }
0xb0: {  	[sflag:s26] =	ssyncset.done $0x0  }
0xb1: {  	[sflag:s26] =	ssyncadd.s32 $0xFFFFE000  }
0xb2: {  	_ =	swait.ge [sflag:s20], $0x2000  }
0xb3: {  	[sflag:s20] =	ssyncset.done $0x0  }
0xb4: {  	[sflag:s20] =	ssyncadd.s32 $0xFFFFE000  }
0xb5: {  	[hbm4b:s13+s21] =	stream.strided.scatter [tilespmem:s25], [sflag:$0x2], $0x2000, s15, s21, $0x38;
	[tilespmem:$0x8800] =	vst v63  }
0xb6: {  	_ =	swait.ge [sflag:s26], $0x2000  }
0xb7: {  	[sflag:s26] =	ssyncset.done $0x0  }
0xb8: {  	[sflag:s26] =	ssyncadd.s32 $0xFFFFE000  }
0xb9: {  	p0 =	sne.s32 s6, $0x1;
	_ =	swait.ge [sflag:s26], $0x2000  }
.Ltmp0:
0xba: {  	[sflag:s26] =	ssyncset.done $0x0;
	(pc) =	sbr.rel @p0 .LBB2_1-.Ltmp0, $4  }
0xbb: {  	[sflag:s26] =	ssyncadd.s32 $0xFFFFE000  }
0xbc: {  	_ =	swait.ge [sflag:s26], $0x2000  }
0xbd: {  	[sflag:s26] =	ssyncset.done $0x0  }
0xbe: {  	s6 =	sadd.s32 $0xFFFFFFFF, s6;
	[sflag:s26] =	ssyncadd.s32 $0xFFFFE000  }
0xbf: {  	_ =	sfence.sel $0x180000  }
0xc0: {  	[bflag:$0x0] =	sbarrier.arrive $0xFFFF  }
0xc1: {  	p0 =	sne.s32 s1, $0x0;
	_ =	strace $0x90000047  }
0xc2: {  	s0 =	sadd.s32 @!p0 $0x100000, s0;
	[bflag:$0x2] =	sbarrier.arrive $0xFFFF  }
0xc3: {  	[sflag:s0] =	ssyncadd.tile.s32 @!p0 $0x1;
	_ =	shalt  }
.Lfunc_end2:
_tile_overlayer_lowered:
.L_overlay_start_2:
0xc4: {  	(tag) =	ssettag $0x2  }
0xc5: {  	s0 =	rddreg [dreg:$0x0];
	s2 =	stileid.u32  }
0xc6: {  	s1 =	rddreg [dreg:$0x1];
	p0 =	sne.s32 s2, $0x0  }
0xc7: {  	s3 =	rddreg [dreg:$0x2];
	[bflag:$0x3] =	sbarrier.arrive $0xFFFF;
	s2 =	simm.s32 @!p0 $0x1C03  }
0xc8: {  	[timem:s3], [sflag:s2] =	dma.local @!p0 [hbm:s0], s1  }
0xc9: {  	s0 =	simm.s32 @!p0 $0x3  }
0xca: {  	_ =	swait.ge @!p0 [sflag:s0], s1  }
0xcb: {  	s1 =	ssub.s32 @!p0 $0x0, s1;
	[sflag:s0] =	ssyncset.done @!p0 $0x0  }
0xcc: {  	[sflag:s0] =	ssyncadd.s32 @!p0 s1  }
0xcd: {  	[bflag:$0x3] =	sbarrier.arrive $0xFFFF  }
0xce: {  	_ =	shalt  }

</sc_bundles>
